<compile_context>
chip_gen: v7x
topology: tpu7x:2x2x1
jax: 0.10.2.dev20260603
libtpu: 0.0.44.dev20260713+nightly
codegen_flags: <defaults>
</compile_context>

<pallas_src>
import functools

import jax
import jax.numpy as jnp
import numpy as np
from jax import lax
from jax.experimental import pallas as pl
from jax.experimental.pallas import tpu as pltpu
from jax.experimental.pallas import tpu_sc as plsc

VIEWS = 360
NDETU = 512
NX = 256
NY = 256
NPIX = NX * NY
TABLE_WORDS = VIEWS * NDETU // 2
SCALE = float(2.0 * np.pi) / (2.0 * VIEWS)

NC = 2
NS = 16
L = 16
NW = NC * NS
PIX_PER_W = NPIX // NW
GROUPS = PIX_PER_W // L
CHUNK = L * VIEWS
VSTEP = 8
GLEN = (L - 1) * VIEWS + VSTEP

_MESH = plsc.VectorSubcoreMesh(
    core_axis_name="c", subcore_axis_name="s", num_cores=NC, num_subcores=NS)


@functools.partial(
    pl.kernel,
    out_type=jax.ShapeDtypeStruct((1, 1, NX, NY), jnp.float32),
    mesh=_MESH,
    compiler_params=pltpu.CompilerParams(needs_layout_passes=False),
    scratch_types=[
        pltpu.VMEM((TABLE_WORDS,), jnp.int32),
        pltpu.VMEM((CHUNK,), jnp.int32),
        pltpu.VMEM((CHUNK,), jnp.int32),
        pltpu.VMEM((CHUNK,), jnp.float32),
        pltpu.VMEM((CHUNK,), jnp.float32),
        pltpu.VMEM((PIX_PER_W,), jnp.float32),
        pltpu.VMEM((1, 1, PIX_PER_W // NY, NY), jnp.float32),
        pltpu.SemaphoreType.DMA,
        pltpu.SemaphoreType.DMA,
        pltpu.SemaphoreType.DMA,
        pltpu.SemaphoreType.DMA,
    ],
)
def _backproject(words_hbm, idx_hbm, w_hbm, bias_hbm, out_hbm,
                 table_v, idx0, idx1, w0, w1, bias_v, out_v,
                 si0, si1, sw0, sw1):
    wid = lax.axis_index("s") * NC + lax.axis_index("c")
    base_p = wid * PIX_PER_W
    stream_base = base_p * VIEWS

    idx_bufs = (idx0, idx1)
    w_bufs = (w0, w1)
    isems = (si0, si1)
    wsems = (sw0, sw1)

    for b in range(2):
        off = stream_base + b * CHUNK
        pltpu.async_copy(idx_hbm.at[pl.ds(off, CHUNK)], idx_bufs[b], isems[b])
        pltpu.async_copy(w_hbm.at[pl.ds(off, CHUNK)], w_bufs[b], wsems[b])
    pltpu.sync_copy(words_hbm, table_v)
    pltpu.sync_copy(bias_hbm.at[pl.ds(base_p, PIX_PER_W)], bias_v)

    lane_base = lax.iota(jnp.int32, L) * VIEWS
    lane_j = [lane_base + j for j in range(VSTEP)]

    @pl.loop(0, GROUPS, step=2)
    def _group_pair(g):
        for b in range(2):
            gb = g + b
            ib, wb = idx_bufs[b], w_bufs[b]
            pltpu.make_async_copy(
                idx_hbm.at[pl.ds(0, CHUNK)], ib, isems[b]).wait()
            pltpu.make_async_copy(
                w_hbm.at[pl.ds(0, CHUNK)], wb, wsems[b]).wait()

            def _views(t, accs, ib=ib, wb=wb):
                new = []
                for j in range(VSTEP):
                    voff = t * VSTEP
                    iv = plsc.load_gather(
                        ib.at[pl.ds(voff, GLEN)], [lane_j[j]])
                    wv = plsc.load_gather(
                        wb.at[pl.ds(voff, GLEN)], [lane_j[j]])
                    hi = iv >= TABLE_WORDS
                    word = plsc.load_gather(
                        table_v, [jnp.where(hi, iv - TABLE_WORDS, iv)])
                    bits = jnp.where(hi, word & jnp.int32(-65536), word << 16)
                    x = plsc.bitcast(bits, jnp.float32)
                    new.append(accs[j] + wv * x)
                return tuple(new)

            z = jnp.zeros((L,), jnp.float32)
            accs = lax.fori_loop(0, VIEWS // VSTEP, _views, (z,) * VSTEP)

            nxt = gb + 2

            @pl.when(nxt < GROUPS)
            def _refill(ib=ib, wb=wb, b=b, nxt=nxt):
                off = stream_base + nxt * CHUNK
                pltpu.async_copy(idx_hbm.at[pl.ds(off, CHUNK)], ib, isems[b])
                pltpu.async_copy(w_hbm.at[pl.ds(off, CHUNK)], wb, wsems[b])

            pairs = list(accs)
            while len(pairs) > 1:
                nxt_half = [pairs[i] + pairs[i + 1]
                            for i in range(0, len(pairs) - 1, 2)]
                if len(pairs) % 2:
                    nxt_half.append(pairs[-1])
                pairs = nxt_half
            total = pairs[0]
            res = total * SCALE + bias_v[pl.ds(gb * L, L)]
            o = PIX_PER_W - L - gb * L
            out_v[0, 0, o >> 8, pl.ds(o & 255, L)] = jnp.flip(res, 0)

    row0 = pl.multiple_of((NPIX - base_p - PIX_PER_W) // NY, 8)
    pltpu.sync_copy(out_v, out_hbm.at[:, :, pl.ds(row0, PIX_PER_W // NY)])


def kernel(input, indices, weight, bias):
    flat = input.reshape(-1)
    bits = lax.bitcast_convert_type(flat, jnp.int32)
    lsb = lax.shift_right_logical(bits, 16) & 1
    r = bits + jnp.int32(0x7FFF) + lsb
    words = (lax.shift_right_logical(r[:TABLE_WORDS], 16)
             | (r[TABLE_WORDS:] & jnp.int32(-65536)))
    return _backproject(words, indices, weight, bias)

# --- scband reference (transcript-rebuilt; emitter-appended) ---
"""Pipeline reference for scband-i-radon-map-61881888800894 (READ-ONLY COPY).

The authoritative reference and input builder live on the scoring server;
editing this copy changes nothing except your own understanding.
"""

import jax, jax.numpy as jnp
import numpy as np

VIEWS = 360
NDETU = 512
NX = 256
NY = 256
EXTENT = 1
CHANNEL = 1
START_ANGLE = 0.0
END_ANGLE = 2.0 * np.pi


def setup_inputs(seed: int = 0) -> dict:
    key = jax.random.key(seed)
    k0, k1, k2, k3 = jax.random.split(key, 4)
    inp = jax.random.normal(k0, (1, CHANNEL, VIEWS, NDETU), dtype=jnp.float32)
    n_gather = NX * NY * EXTENT * VIEWS
    indices = jax.random.randint(k1, (n_gather,), 0, VIEWS * NDETU, dtype=jnp.int32)
    weight = jax.random.normal(k2, (n_gather,), dtype=jnp.float32) * 0.01 + 1.0
    bias = jax.random.normal(k3, (NX * NY,), dtype=jnp.float32) * 0.01
    return {"input": inp, "indices": indices, "weight": weight, "bias": bias}


def reference(input, indices, weight, bias):
    # BackProjNet forward (learn=True): gather from flattened sinogram, per-element
    # learned weighting (DotProduct), segment-reduce over views*extent, bias, flip.
    x = input.reshape(-1, CHANNEL, VIEWS * NDETU)
    out = jnp.take(x, indices, axis=2)                      # [B, C, NX*NY*EXTENT*VIEWS]
    out = out * weight[None, None, :]                       # DotProduct
    out = out.reshape(-1, CHANNEL, NX * NY, VIEWS * EXTENT)
    out = jnp.sum(out, axis=3) * (END_ANGLE - START_ANGLE) / (2.0 * VIEWS * EXTENT)
    out = out + bias[None, None, :]
    out = out.reshape(-1, CHANNEL, NX, NY)
    out = out[:, :, ::-1, ::-1]                             # flip((2, 3))
    return out

if __name__ == "__main__":
    import jax
    _d = setup_inputs()
    print(jax.jit(kernel)(*tuple(_d.values())))

</pallas_src>

<mosaic_0001>
#map = affine_map<(d0, d1) -> (0)>
#map1 = affine_map<(d0, d1) -> (0, 0, 0, 0)>
module attributes {stable_mosaic.version = 14 : i64} {
  func.func @_backproject(%arg0: i32, %arg1: i32, %arg2: memref<92160xi32, #tpu.memory_space<hbm>>, %arg3: memref<23592960xi32, #tpu.memory_space<hbm>>, %arg4: memref<23592960xf32, #tpu.memory_space<hbm>>, %arg5: memref<65536xf32, #tpu.memory_space<hbm>>, %arg6: memref<1x1x256x256xf32, #tpu.memory_space<hbm>>, %arg7: memref<92160xi32, #tpu.memory_space<vmem>>, %arg8: memref<5760xi32, #tpu.memory_space<vmem>>, %arg9: memref<5760xi32, #tpu.memory_space<vmem>>, %arg10: memref<5760xf32, #tpu.memory_space<vmem>>, %arg11: memref<5760xf32, #tpu.memory_space<vmem>>, %arg12: memref<2048xf32, #tpu.memory_space<vmem>>, %arg13: memref<1x1x8x256xf32, #tpu.memory_space<vmem>>, %arg14: memref<!tpu.dma_semaphore, #tpu.memory_space<semaphore_mem>>, %arg15: memref<!tpu.dma_semaphore, #tpu.memory_space<semaphore_mem>>, %arg16: memref<!tpu.dma_semaphore, #tpu.memory_space<semaphore_mem>>, %arg17: memref<!tpu.dma_semaphore, #tpu.memory_space<semaphore_mem>>) attributes {dimension_semantics = [#tpu.dimension_semantics<core_parallel>, #tpu.dimension_semantics<subcore_parallel>], iteration_bounds = array<i64: 2, 16>, scalar_prefetch = 0 : i64, scratch_operands = 11 : i64, tpu.core_type = #tpu.core_type<sc_vector_subcore>, window_params = [{transform_indices = #map}, {transform_indices = #map}, {transform_indices = #map}, {transform_indices = #map}, {transform_indices = #map1}]} {
    %mul3A = arith.constant 2 : i32
    %mul3A_0 = arith.muli %arg1, %mul3A : i32
    %add3A = arith.addi %mul3A_0, %arg0 : i32
    %mul3A_1 = arith.constant 2048 : i32
    %mul3A_2 = arith.muli %add3A, %mul3A_1 : i32
    %mul3A_3 = arith.constant 360 : i32
    %mul3A_4 = arith.muli %mul3A_2, %mul3A_3 : i32
    %add3A_5 = arith.constant 0 : i32
    %add3A_6 = arith.addi %mul3A_4, %add3A_5 : i32
    %dma_start3A = tpu.memref_slice %arg3[%add3A_6] : memref<23592960xi32, #tpu.memory_space<hbm>> -> memref<5760xi32, #tpu.memory_space<hbm>>
    %dma_start3A_7 = tpu.memref_slice %arg3[%add3A_6] : memref<23592960xi32, #tpu.memory_space<hbm>> -> memref<5760xi32, #tpu.memory_space<hbm>>
    tpu.enqueue_dma source(%dma_start3A_7 : memref<5760xi32, #tpu.memory_space<hbm>>) target(%arg8 : memref<5760xi32, #tpu.memory_space<vmem>>) target_semaphore(%arg14 : memref<!tpu.dma_semaphore, #tpu.memory_space<semaphore_mem>>)
    %dma_start3A_8 = tpu.memref_slice %arg4[%add3A_6] : memref<23592960xf32, #tpu.memory_space<hbm>> -> memref<5760xf32, #tpu.memory_space<hbm>>
    %dma_start3A_9 = tpu.memref_slice %arg4[%add3A_6] : memref<23592960xf32, #tpu.memory_space<hbm>> -> memref<5760xf32, #tpu.memory_space<hbm>>
    tpu.enqueue_dma source(%dma_start3A_9 : memref<5760xf32, #tpu.memory_space<hbm>>) target(%arg10 : memref<5760xf32, #tpu.memory_space<vmem>>) target_semaphore(%arg16 : memref<!tpu.dma_semaphore, #tpu.memory_space<semaphore_mem>>)
    %add3A_10 = arith.constant 5760 : i32
    %add3A_11 = arith.addi %mul3A_4, %add3A_10 : i32
    %dma_start3A_12 = tpu.memref_slice %arg3[%add3A_11] : memref<23592960xi32, #tpu.memory_space<hbm>> -> memref<5760xi32, #tpu.memory_space<hbm>>
    %dma_start3A_13 = tpu.memref_slice %arg3[%add3A_11] : memref<23592960xi32, #tpu.memory_space<hbm>> -> memref<5760xi32, #tpu.memory_space<hbm>>
    tpu.enqueue_dma source(%dma_start3A_13 : memref<5760xi32, #tpu.memory_space<hbm>>) target(%arg9 : memref<5760xi32, #tpu.memory_space<vmem>>) target_semaphore(%arg15 : memref<!tpu.dma_semaphore, #tpu.memory_space<semaphore_mem>>)
    %dma_start3A_14 = tpu.memref_slice %arg4[%add3A_11] : memref<23592960xf32, #tpu.memory_space<hbm>> -> memref<5760xf32, #tpu.memory_space<hbm>>
    %dma_start3A_15 = tpu.memref_slice %arg4[%add3A_11] : memref<23592960xf32, #tpu.memory_space<hbm>> -> memref<5760xf32, #tpu.memory_space<hbm>>
    tpu.enqueue_dma source(%dma_start3A_15 : memref<5760xf32, #tpu.memory_space<hbm>>) target(%arg11 : memref<5760xf32, #tpu.memory_space<vmem>>) target_semaphore(%arg17 : memref<!tpu.dma_semaphore, #tpu.memory_space<semaphore_mem>>)
    "tpu.region"() ({
      %run_scoped3A = tpu.sem_alloc : memref<!tpu.dma_semaphore, #tpu.memory_space<semaphore_mem>>
      tpu.enqueue_dma source(%arg2 : memref<92160xi32, #tpu.memory_space<hbm>>) target(%arg7 : memref<92160xi32, #tpu.memory_space<vmem>>) target_semaphore(%run_scoped3A : memref<!tpu.dma_semaphore, #tpu.memory_space<semaphore_mem>>)
      tpu.wait_dma2 semaphore(%run_scoped3A : memref<!tpu.dma_semaphore, #tpu.memory_space<semaphore_mem>>) src(%arg2 : memref<92160xi32, #tpu.memory_space<hbm>>) dst(%arg7 : memref<92160xi32, #tpu.memory_space<vmem>>)
      tpu.yield
    }) : () -> ()
    "tpu.region"() ({
      %run_scoped3A = tpu.sem_alloc : memref<!tpu.dma_semaphore, #tpu.memory_space<semaphore_mem>>
      %dma_start3A_67 = tpu.memref_slice %arg5[%mul3A_2] : memref<65536xf32, #tpu.memory_space<hbm>> -> memref<2048xf32, #tpu.memory_space<hbm>>
      %dma_start3A_68 = tpu.memref_slice %arg5[%mul3A_2] : memref<65536xf32, #tpu.memory_space<hbm>> -> memref<2048xf32, #tpu.memory_space<hbm>>
      tpu.enqueue_dma source(%dma_start3A_68 : memref<2048xf32, #tpu.memory_space<hbm>>) target(%arg12 : memref<2048xf32, #tpu.memory_space<vmem>>) target_semaphore(%run_scoped3A : memref<!tpu.dma_semaphore, #tpu.memory_space<semaphore_mem>>)
      %dma_wait3A = tpu.memref_slice %arg5[%mul3A_2] : memref<65536xf32, #tpu.memory_space<hbm>> -> memref<2048xf32, #tpu.memory_space<hbm>>
      %dma_wait3A_69 = tpu.memref_slice %arg5[%mul3A_2] : memref<65536xf32, #tpu.memory_space<hbm>> -> memref<2048xf32, #tpu.memory_space<hbm>>
      tpu.wait_dma2 semaphore(%run_scoped3A : memref<!tpu.dma_semaphore, #tpu.memory_space<semaphore_mem>>) src(%dma_wait3A_69 : memref<2048xf32, #tpu.memory_space<hbm>>) dst(%arg12 : memref<2048xf32, #tpu.memory_space<vmem>>)
      tpu.yield
    }) : () -> ()
    %iota3A = tpu.iota {dimensions = array<i32: 0>} : vector<16xi32>
    %mul3A_16 = arith.constant 360 : i32
    %mul3A_17 = vector.broadcast %mul3A_16 : i32 to vector<16xi32>
    %mul3A_18 = arith.muli %iota3A, %mul3A_17 : vector<16xi32>
    %add3A_19 = arith.constant 0 : i32
    %add3A_20 = vector.broadcast %add3A_19 : i32 to vector<16xi32>
    %add3A_21 = arith.addi %mul3A_18, %add3A_20 : vector<16xi32>
    %add3A_22 = arith.constant 1 : i32
    %add3A_23 = vector.broadcast %add3A_22 : i32 to vector<16xi32>
    %add3A_24 = arith.addi %mul3A_18, %add3A_23 : vector<16xi32>
    %add3A_25 = arith.constant 2 : i32
    %add3A_26 = vector.broadcast %add3A_25 : i32 to vector<16xi32>
    %add3A_27 = arith.addi %mul3A_18, %add3A_26 : vector<16xi32>
    %add3A_28 = arith.constant 3 : i32
    %add3A_29 = vector.broadcast %add3A_28 : i32 to vector<16xi32>
    %add3A_30 = arith.addi %mul3A_18, %add3A_29 : vector<16xi32>
    %add3A_31 = arith.constant 4 : i32
    %add3A_32 = vector.broadcast %add3A_31 : i32 to vector<16xi32>
    %add3A_33 = arith.addi %mul3A_18, %add3A_32 : vector<16xi32>
    %add3A_34 = arith.constant 5 : i32
    %add3A_35 = vector.broadcast %add3A_34 : i32 to vector<16xi32>
    %add3A_36 = arith.addi %mul3A_18, %add3A_35 : vector<16xi32>
    %add3A_37 = arith.constant 6 : i32
    %add3A_38 = vector.broadcast %add3A_37 : i32 to vector<16xi32>
    %add3A_39 = arith.addi %mul3A_18, %add3A_38 : vector<16xi32>
    %add3A_40 = arith.constant 7 : i32
    %add3A_41 = vector.broadcast %add3A_40 : i32 to vector<16xi32>
    %add3A_42 = arith.addi %mul3A_18, %add3A_41 : vector<16xi32>
    %scan3A = arith.constant 0 : i32
    %scan3A_43 = arith.constant 64 : i32
    %scan3A_44 = arith.addi %scan3A, %scan3A_43 : i32
    %scan3A_45 = arith.constant 1 : i32
    scf.for %scan3A_67 = %scan3A to %scan3A_44 step %scan3A_45  : i32 {
      %mul3A_68 = arith.constant 2 : i32
      %mul3A_69 = arith.muli %scan3A_67, %mul3A_68 : i32
      %add3A_70 = arith.constant 0 : i32
      %add3A_71 = arith.addi %add3A_70, %mul3A_69 : i32
      %add3A_72 = arith.constant 0 : i32
      %add3A_73 = arith.addi %add3A_71, %add3A_72 : i32
      %dma_wait3A = arith.constant 0 : i32
      %dma_wait3A_74 = tpu.memref_slice %arg3[%dma_wait3A] : memref<23592960xi32, #tpu.memory_space<hbm>> -> memref<5760xi32, #tpu.memory_space<hbm>>
      %dma_wait3A_75 = arith.constant 0 : i32
      %dma_wait3A_76 = tpu.memref_slice %arg3[%dma_wait3A_75] : memref<23592960xi32, #tpu.memory_space<hbm>> -> memref<5760xi32, #tpu.memory_space<hbm>>
      tpu.wait_dma2 semaphore(%arg14 : memref<!tpu.dma_semaphore, #tpu.memory_space<semaphore_mem>>) src(%dma_wait3A_76 : memref<5760xi32, #tpu.memory_space<hbm>>) dst(%arg8 : memref<5760xi32, #tpu.memory_space<vmem>>)
      %dma_wait3A_77 = arith.constant 0 : i32
      %dma_wait3A_78 = tpu.memref_slice %arg4[%dma_wait3A_77] : memref<23592960xf32, #tpu.memory_space<hbm>> -> memref<5760xf32, #tpu.memory_space<hbm>>
      %dma_wait3A_79 = arith.constant 0 : i32
      %dma_wait3A_80 = tpu.memref_slice %arg4[%dma_wait3A_79] : memref<23592960xf32, #tpu.memory_space<hbm>> -> memref<5760xf32, #tpu.memory_space<hbm>>
      tpu.wait_dma2 semaphore(%arg16 : memref<!tpu.dma_semaphore, #tpu.memory_space<semaphore_mem>>) src(%dma_wait3A_80 : memref<5760xf32, #tpu.memory_space<hbm>>) dst(%arg10 : memref<5760xf32, #tpu.memory_space<vmem>>)
      %broadcast_in_dim3A = arith.constant 0.000000e+00 : f32
      %broadcast_in_dim3A_81 = vector.broadcast %broadcast_in_dim3A : f32 to vector<16xf32>
      %scan3A_82 = arith.constant 0 : i32
      %scan3A_83 = arith.constant 45 : i32
      %scan3A_84 = arith.addi %scan3A_82, %scan3A_83 : i32
      %scan3A_85 = arith.constant 1 : i32
      %scan3A_86:8 = scf.for %scan3A_183 = %scan3A_82 to %scan3A_84 step %scan3A_85 iter_args(%scan3A_184 = %broadcast_in_dim3A_81, %scan3A_185 = %broadcast_in_dim3A_81, %scan3A_186 = %broadcast_in_dim3A_81, %scan3A_187 = %broadcast_in_dim3A_81, %scan3A_188 = %broadcast_in_dim3A_81, %scan3A_189 = %broadcast_in_dim3A_81, %scan3A_190 = %broadcast_in_dim3A_81, %scan3A_191 = %broadcast_in_dim3A_81) -> (vector<16xf32>, vector<16xf32>, vector<16xf32>, vector<16xf32>, vector<16xf32>, vector<16xf32>, vector<16xf32>, vector<16xf32>)  : i32 {
        %mul3A_192 = arith.constant 8 : i32
        %mul3A_193 = arith.muli %scan3A_183, %mul3A_192 : i32
        %gather3A = tpu.memref_slice %arg8[%mul3A_193] : memref<5760xi32, #tpu.memory_space<vmem>> -> memref<5408xi32, #tpu.memory_space<vmem>>
        %gather3A_194 = tpu.vector_load_idx %gather3A[%add3A_21] : memref<5408xi32, #tpu.memory_space<vmem>>[vector<16xi32>], vector<16xi32>,
        %gather3A_195 = tpu.memref_slice %arg10[%mul3A_193] : memref<5760xf32, #tpu.memory_space<vmem>> -> memref<5408xf32, #tpu.memory_space<vmem>>
        %gather3A_196 = tpu.vector_load_idx %gather3A_195[%add3A_21] : memref<5408xf32, #tpu.memory_space<vmem>>[vector<16xi32>], vector<16xf32>,
        %ge3A = arith.constant 92160 : i32
        %ge3A_197 = vector.broadcast %ge3A : i32 to vector<16xi32>
        %ge3A_198 = arith.cmpi sge, %gather3A_194, %ge3A_197 : vector<16xi32>
        %sub3A_199 = arith.constant 92160 : i32
        %sub3A_200 = vector.broadcast %sub3A_199 : i32 to vector<16xi32>
        %sub3A_201 = arith.subi %gather3A_194, %sub3A_200 : vector<16xi32>
        %select_n3A_202 = arith.select %ge3A_198, %sub3A_201, %gather3A_194 : vector<16xi1>, vector<16xi32>
        %gather3A_203 = tpu.vector_load_idx %arg7[%select_n3A_202] : memref<92160xi32, #tpu.memory_space<vmem>>[vector<16xi32>], vector<16xi32>,
        %and3A_204 = arith.constant -65536 : i32
        %and3A_205 = vector.broadcast %and3A_204 : i32 to vector<16xi32>
        %and3A_206 = arith.andi %gather3A_203, %and3A_205 : vector<16xi32>
        %shift_left3A = arith.constant 16 : i32
        %shift_left3A_207 = vector.broadcast %shift_left3A : i32 to vector<16xi32>
        %shift_left3A_208 = arith.shli %gather3A_203, %shift_left3A_207 : vector<16xi32>
        %select_n3A_209 = arith.select %ge3A_198, %and3A_206, %shift_left3A_208 : vector<16xi1>, vector<16xi32>
        %bitcast3A = vector.bitcast %select_n3A_209 : vector<16xi32> to vector<16xf32>
        %mul3A_210 = arith.mulf %gather3A_196, %bitcast3A : vector<16xf32>
        %add3A_211 = arith.addf %scan3A_184, %mul3A_210 : vector<16xf32>
        %mul3A_212 = arith.constant 8 : i32
        %mul3A_213 = arith.muli %scan3A_183, %mul3A_212 : i32
        %gather3A_214 = tpu.memref_slice %arg8[%mul3A_213] : memref<5760xi32, #tpu.memory_space<vmem>> -> memref<5408xi32, #tpu.memory_space<vmem>>
        %gather3A_215 = tpu.vector_load_idx %gather3A_214[%add3A_24] : memref<5408xi32, #tpu.memory_space<vmem>>[vector<16xi32>], vector<16xi32>,
        %gather3A_216 = tpu.memref_slice %arg10[%mul3A_213] : memref<5760xf32, #tpu.memory_space<vmem>> -> memref<5408xf32, #tpu.memory_space<vmem>>
        %gather3A_217 = tpu.vector_load_idx %gather3A_216[%add3A_24] : memref<5408xf32, #tpu.memory_space<vmem>>[vector<16xi32>], vector<16xf32>,
        %ge3A_218 = arith.constant 92160 : i32
        %ge3A_219 = vector.broadcast %ge3A_218 : i32 to vector<16xi32>
        %ge3A_220 = arith.cmpi sge, %gather3A_215, %ge3A_219 : vector<16xi32>
        %sub3A_221 = arith.constant 92160 : i32
        %sub3A_222 = vector.broadcast %sub3A_221 : i32 to vector<16xi32>
        %sub3A_223 = arith.subi %gather3A_215, %sub3A_222 : vector<16xi32>
        %select_n3A_224 = arith.select %ge3A_220, %sub3A_223, %gather3A_215 : vector<16xi1>, vector<16xi32>
        %gather3A_225 = tpu.vector_load_idx %arg7[%select_n3A_224] : memref<92160xi32, #tpu.memory_space<vmem>>[vector<16xi32>], vector<16xi32>,
        %and3A_226 = arith.constant -65536 : i32
        %and3A_227 = vector.broadcast %and3A_226 : i32 to vector<16xi32>
        %and3A_228 = arith.andi %gather3A_225, %and3A_227 : vector<16xi32>
        %shift_left3A_229 = arith.constant 16 : i32
        %shift_left3A_230 = vector.broadcast %shift_left3A_229 : i32 to vector<16xi32>
        %shift_left3A_231 = arith.shli %gather3A_225, %shift_left3A_230 : vector<16xi32>
        %select_n3A_232 = arith.select %ge3A_220, %and3A_228, %shift_left3A_231 : vector<16xi1>, vector<16xi32>
        %bitcast3A_233 = vector.bitcast %select_n3A_232 : vector<16xi32> to vector<16xf32>
        %mul3A_234 = arith.mulf %gather3A_217, %bitcast3A_233 : vector<16xf32>
        %add3A_235 = arith.addf %scan3A_185, %mul3A_234 : vector<16xf32>
        %mul3A_236 = arith.constant 8 : i32
        %mul3A_237 = arith.muli %scan3A_183, %mul3A_236 : i32
        %gather3A_238 = tpu.memref_slice %arg8[%mul3A_237] : memref<5760xi32, #tpu.memory_space<vmem>> -> memref<5408xi32, #tpu.memory_space<vmem>>
        %gather3A_239 = tpu.vector_load_idx %gather3A_238[%add3A_27] : memref<5408xi32, #tpu.memory_space<vmem>>[vector<16xi32>], vector<16xi32>,
        %gather3A_240 = tpu.memref_slice %arg10[%mul3A_237] : memref<5760xf32, #tpu.memory_space<vmem>> -> memref<5408xf32, #tpu.memory_space<vmem>>
        %gather3A_241 = tpu.vector_load_idx %gather3A_240[%add3A_27] : memref<5408xf32, #tpu.memory_space<vmem>>[vector<16xi32>], vector<16xf32>,
        %ge3A_242 = arith.constant 92160 : i32
        %ge3A_243 = vector.broadcast %ge3A_242 : i32 to vector<16xi32>
        %ge3A_244 = arith.cmpi sge, %gather3A_239, %ge3A_243 : vector<16xi32>
        %sub3A_245 = arith.constant 92160 : i32
        %sub3A_246 = vector.broadcast %sub3A_245 : i32 to vector<16xi32>
        %sub3A_247 = arith.subi %gather3A_239, %sub3A_246 : vector<16xi32>
        %select_n3A_248 = arith.select %ge3A_244, %sub3A_247, %gather3A_239 : vector<16xi1>, vector<16xi32>
        %gather3A_249 = tpu.vector_load_idx %arg7[%select_n3A_248] : memref<92160xi32, #tpu.memory_space<vmem>>[vector<16xi32>], vector<16xi32>,
        %and3A_250 = arith.constant -65536 : i32
        %and3A_251 = vector.broadcast %and3A_250 : i32 to vector<16xi32>
        %and3A_252 = arith.andi %gather3A_249, %and3A_251 : vector<16xi32>
        %shift_left3A_253 = arith.constant 16 : i32
        %shift_left3A_254 = vector.broadcast %shift_left3A_253 : i32 to vector<16xi32>
        %shift_left3A_255 = arith.shli %gather3A_249, %shift_left3A_254 : vector<16xi32>
        %select_n3A_256 = arith.select %ge3A_244, %and3A_252, %shift_left3A_255 : vector<16xi1>, vector<16xi32>
        %bitcast3A_257 = vector.bitcast %select_n3A_256 : vector<16xi32> to vector<16xf32>
        %mul3A_258 = arith.mulf %gather3A_241, %bitcast3A_257 : vector<16xf32>
        %add3A_259 = arith.addf %scan3A_186, %mul3A_258 : vector<16xf32>
        %mul3A_260 = arith.constant 8 : i32
        %mul3A_261 = arith.muli %scan3A_183, %mul3A_260 : i32
        %gather3A_262 = tpu.memref_slice %arg8[%mul3A_261] : memref<5760xi32, #tpu.memory_space<vmem>> -> memref<5408xi32, #tpu.memory_space<vmem>>
        %gather3A_263 = tpu.vector_load_idx %gather3A_262[%add3A_30] : memref<5408xi32, #tpu.memory_space<vmem>>[vector<16xi32>], vector<16xi32>,
        %gather3A_264 = tpu.memref_slice %arg10[%mul3A_261] : memref<5760xf32, #tpu.memory_space<vmem>> -> memref<5408xf32, #tpu.memory_space<vmem>>
        %gather3A_265 = tpu.vector_load_idx %gather3A_264[%add3A_30] : memref<5408xf32, #tpu.memory_space<vmem>>[vector<16xi32>], vector<16xf32>,
        %ge3A_266 = arith.constant 92160 : i32
        %ge3A_267 = vector.broadcast %ge3A_266 : i32 to vector<16xi32>
        %ge3A_268 = arith.cmpi sge, %gather3A_263, %ge3A_267 : vector<16xi32>
        %sub3A_269 = arith.constant 92160 : i32
        %sub3A_270 = vector.broadcast %sub3A_269 : i32 to vector<16xi32>
        %sub3A_271 = arith.subi %gather3A_263, %sub3A_270 : vector<16xi32>
        %select_n3A_272 = arith.select %ge3A_268, %sub3A_271, %gather3A_263 : vector<16xi1>, vector<16xi32>
        %gather3A_273 = tpu.vector_load_idx %arg7[%select_n3A_272] : memref<92160xi32, #tpu.memory_space<vmem>>[vector<16xi32>], vector<16xi32>,
        %and3A_274 = arith.constant -65536 : i32
        %and3A_275 = vector.broadcast %and3A_274 : i32 to vector<16xi32>
        %and3A_276 = arith.andi %gather3A_273, %and3A_275 : vector<16xi32>
        %shift_left3A_277 = arith.constant 16 : i32
        %shift_left3A_278 = vector.broadcast %shift_left3A_277 : i32 to vector<16xi32>
        %shift_left3A_279 = arith.shli %gather3A_273, %shift_left3A_278 : vector<16xi32>
        %select_n3A_280 = arith.select %ge3A_268, %and3A_276, %shift_left3A_279 : vector<16xi1>, vector<16xi32>
        %bitcast3A_281 = vector.bitcast %select_n3A_280 : vector<16xi32> to vector<16xf32>
        %mul3A_282 = arith.mulf %gather3A_265, %bitcast3A_281 : vector<16xf32>
        %add3A_283 = arith.addf %scan3A_187, %mul3A_282 : vector<16xf32>
        %mul3A_284 = arith.constant 8 : i32
        %mul3A_285 = arith.muli %scan3A_183, %mul3A_284 : i32
        %gather3A_286 = tpu.memref_slice %arg8[%mul3A_285] : memref<5760xi32, #tpu.memory_space<vmem>> -> memref<5408xi32, #tpu.memory_space<vmem>>
        %gather3A_287 = tpu.vector_load_idx %gather3A_286[%add3A_33] : memref<5408xi32, #tpu.memory_space<vmem>>[vector<16xi32>], vector<16xi32>,
        %gather3A_288 = tpu.memref_slice %arg10[%mul3A_285] : memref<5760xf32, #tpu.memory_space<vmem>> -> memref<5408xf32, #tpu.memory_space<vmem>>
        %gather3A_289 = tpu.vector_load_idx %gather3A_288[%add3A_33] : memref<5408xf32, #tpu.memory_space<vmem>>[vector<16xi32>], vector<16xf32>,
        %ge3A_290 = arith.constant 92160 : i32
        %ge3A_291 = vector.broadcast %ge3A_290 : i32 to vector<16xi32>
        %ge3A_292 = arith.cmpi sge, %gather3A_287, %ge3A_291 : vector<16xi32>
        %sub3A_293 = arith.constant 92160 : i32
        %sub3A_294 = vector.broadcast %sub3A_293 : i32 to vector<16xi32>
        %sub3A_295 = arith.subi %gather3A_287, %sub3A_294 : vector<16xi32>
        %select_n3A_296 = arith.select %ge3A_292, %sub3A_295, %gather3A_287 : vector<16xi1>, vector<16xi32>
        %gather3A_297 = tpu.vector_load_idx %arg7[%select_n3A_296] : memref<92160xi32, #tpu.memory_space<vmem>>[vector<16xi32>], vector<16xi32>,
        %and3A_298 = arith.constant -65536 : i32
        %and3A_299 = vector.broadcast %and3A_298 : i32 to vector<16xi32>
        %and3A_300 = arith.andi %gather3A_297, %and3A_299 : vector<16xi32>
        %shift_left3A_301 = arith.constant 16 : i32
        %shift_left3A_302 = vector.broadcast %shift_left3A_301 : i32 to vector<16xi32>
        %shift_left3A_303 = arith.shli %gather3A_297, %shift_left3A_302 : vector<16xi32>
        %select_n3A_304 = arith.select %ge3A_292, %and3A_300, %shift_left3A_303 : vector<16xi1>, vector<16xi32>
        %bitcast3A_305 = vector.bitcast %select_n3A_304 : vector<16xi32> to vector<16xf32>
        %mul3A_306 = arith.mulf %gather3A_289, %bitcast3A_305 : vector<16xf32>
        %add3A_307 = arith.addf %scan3A_188, %mul3A_306 : vector<16xf32>
        %mul3A_308 = arith.constant 8 : i32
        %mul3A_309 = arith.muli %scan3A_183, %mul3A_308 : i32
        %gather3A_310 = tpu.memref_slice %arg8[%mul3A_309] : memref<5760xi32, #tpu.memory_space<vmem>> -> memref<5408xi32, #tpu.memory_space<vmem>>
        %gather3A_311 = tpu.vector_load_idx %gather3A_310[%add3A_36] : memref<5408xi32, #tpu.memory_space<vmem>>[vector<16xi32>], vector<16xi32>,
        %gather3A_312 = tpu.memref_slice %arg10[%mul3A_309] : memref<5760xf32, #tpu.memory_space<vmem>> -> memref<5408xf32, #tpu.memory_space<vmem>>
        %gather3A_313 = tpu.vector_load_idx %gather3A_312[%add3A_36] : memref<5408xf32, #tpu.memory_space<vmem>>[vector<16xi32>], vector<16xf32>,
        %ge3A_314 = arith.constant 92160 : i32
        %ge3A_315 = vector.broadcast %ge3A_314 : i32 to vector<16xi32>
        %ge3A_316 = arith.cmpi sge, %gather3A_311, %ge3A_315 : vector<16xi32>
        %sub3A_317 = arith.constant 92160 : i32
        %sub3A_318 = vector.broadcast %sub3A_317 : i32 to vector<16xi32>
        %sub3A_319 = arith.subi %gather3A_311, %sub3A_318 : vector<16xi32>
        %select_n3A_320 = arith.select %ge3A_316, %sub3A_319, %gather3A_311 : vector<16xi1>, vector<16xi32>
        %gather3A_321 = tpu.vector_load_idx %arg7[%select_n3A_320] : memref<92160xi32, #tpu.memory_space<vmem>>[vector<16xi32>], vector<16xi32>,
        %and3A_322 = arith.constant -65536 : i32
        %and3A_323 = vector.broadcast %and3A_322 : i32 to vector<16xi32>
        %and3A_324 = arith.andi %gather3A_321, %and3A_323 : vector<16xi32>
        %shift_left3A_325 = arith.constant 16 : i32
        %shift_left3A_326 = vector.broadcast %shift_left3A_325 : i32 to vector<16xi32>
        %shift_left3A_327 = arith.shli %gather3A_321, %shift_left3A_326 : vector<16xi32>
        %select_n3A_328 = arith.select %ge3A_316, %and3A_324, %shift_left3A_327 : vector<16xi1>, vector<16xi32>
        %bitcast3A_329 = vector.bitcast %select_n3A_328 : vector<16xi32> to vector<16xf32>
        %mul3A_330 = arith.mulf %gather3A_313, %bitcast3A_329 : vector<16xf32>
        %add3A_331 = arith.addf %scan3A_189, %mul3A_330 : vector<16xf32>
        %mul3A_332 = arith.constant 8 : i32
        %mul3A_333 = arith.muli %scan3A_183, %mul3A_332 : i32
        %gather3A_334 = tpu.memref_slice %arg8[%mul3A_333] : memref<5760xi32, #tpu.memory_space<vmem>> -> memref<5408xi32, #tpu.memory_space<vmem>>
        %gather3A_335 = tpu.vector_load_idx %gather3A_334[%add3A_39] : memref<5408xi32, #tpu.memory_space<vmem>>[vector<16xi32>], vector<16xi32>,
        %gather3A_336 = tpu.memref_slice %arg10[%mul3A_333] : memref<5760xf32, #tpu.memory_space<vmem>> -> memref<5408xf32, #tpu.memory_space<vmem>>
        %gather3A_337 = tpu.vector_load_idx %gather3A_336[%add3A_39] : memref<5408xf32, #tpu.memory_space<vmem>>[vector<16xi32>], vector<16xf32>,
        %ge3A_338 = arith.constant 92160 : i32
        %ge3A_339 = vector.broadcast %ge3A_338 : i32 to vector<16xi32>
        %ge3A_340 = arith.cmpi sge, %gather3A_335, %ge3A_339 : vector<16xi32>
        %sub3A_341 = arith.constant 92160 : i32
        %sub3A_342 = vector.broadcast %sub3A_341 : i32 to vector<16xi32>
        %sub3A_343 = arith.subi %gather3A_335, %sub3A_342 : vector<16xi32>
        %select_n3A_344 = arith.select %ge3A_340, %sub3A_343, %gather3A_335 : vector<16xi1>, vector<16xi32>
        %gather3A_345 = tpu.vector_load_idx %arg7[%select_n3A_344] : memref<92160xi32, #tpu.memory_space<vmem>>[vector<16xi32>], vector<16xi32>,
        %and3A_346 = arith.constant -65536 : i32
        %and3A_347 = vector.broadcast %and3A_346 : i32 to vector<16xi32>
        %and3A_348 = arith.andi %gather3A_345, %and3A_347 : vector<16xi32>
        %shift_left3A_349 = arith.constant 16 : i32
        %shift_left3A_350 = vector.broadcast %shift_left3A_349 : i32 to vector<16xi32>
        %shift_left3A_351 = arith.shli %gather3A_345, %shift_left3A_350 : vector<16xi32>
        %select_n3A_352 = arith.select %ge3A_340, %and3A_348, %shift_left3A_351 : vector<16xi1>, vector<16xi32>
        %bitcast3A_353 = vector.bitcast %select_n3A_352 : vector<16xi32> to vector<16xf32>
        %mul3A_354 = arith.mulf %gather3A_337, %bitcast3A_353 : vector<16xf32>
        %add3A_355 = arith.addf %scan3A_190, %mul3A_354 : vector<16xf32>
        %mul3A_356 = arith.constant 8 : i32
        %mul3A_357 = arith.muli %scan3A_183, %mul3A_356 : i32
        %gather3A_358 = tpu.memref_slice %arg8[%mul3A_357] : memref<5760xi32, #tpu.memory_space<vmem>> -> memref<5408xi32, #tpu.memory_space<vmem>>
        %gather3A_359 = tpu.vector_load_idx %gather3A_358[%add3A_42] : memref<5408xi32, #tpu.memory_space<vmem>>[vector<16xi32>], vector<16xi32>,
        %gather3A_360 = tpu.memref_slice %arg10[%mul3A_357] : memref<5760xf32, #tpu.memory_space<vmem>> -> memref<5408xf32, #tpu.memory_space<vmem>>
        %gather3A_361 = tpu.vector_load_idx %gather3A_360[%add3A_42] : memref<5408xf32, #tpu.memory_space<vmem>>[vector<16xi32>], vector<16xf32>,
        %ge3A_362 = arith.constant 92160 : i32
        %ge3A_363 = vector.broadcast %ge3A_362 : i32 to vector<16xi32>
        %ge3A_364 = arith.cmpi sge, %gather3A_359, %ge3A_363 : vector<16xi32>
        %sub3A_365 = arith.constant 92160 : i32
        %sub3A_366 = vector.broadcast %sub3A_365 : i32 to vector<16xi32>
        %sub3A_367 = arith.subi %gather3A_359, %sub3A_366 : vector<16xi32>
        %select_n3A_368 = arith.select %ge3A_364, %sub3A_367, %gather3A_359 : vector<16xi1>, vector<16xi32>
        %gather3A_369 = tpu.vector_load_idx %arg7[%select_n3A_368] : memref<92160xi32, #tpu.memory_space<vmem>>[vector<16xi32>], vector<16xi32>,
        %and3A_370 = arith.constant -65536 : i32
        %and3A_371 = vector.broadcast %and3A_370 : i32 to vector<16xi32>
        %and3A_372 = arith.andi %gather3A_369, %and3A_371 : vector<16xi32>
        %shift_left3A_373 = arith.constant 16 : i32
        %shift_left3A_374 = vector.broadcast %shift_left3A_373 : i32 to vector<16xi32>
        %shift_left3A_375 = arith.shli %gather3A_369, %shift_left3A_374 : vector<16xi32>
        %select_n3A_376 = arith.select %ge3A_364, %and3A_372, %shift_left3A_375 : vector<16xi1>, vector<16xi32>
        %bitcast3A_377 = vector.bitcast %select_n3A_376 : vector<16xi32> to vector<16xf32>
        %mul3A_378 = arith.mulf %gather3A_361, %bitcast3A_377 : vector<16xf32>
        %add3A_379 = arith.addf %scan3A_191, %mul3A_378 : vector<16xf32>
        scf.yield %add3A_211, %add3A_235, %add3A_259, %add3A_283, %add3A_307, %add3A_331, %add3A_355, %add3A_379 : vector<16xf32>, vector<16xf32>, vector<16xf32>, vector<16xf32>, vector<16xf32>, vector<16xf32>, vector<16xf32>, vector<16xf32>
      }
      %scan3A_87 = arith.constant 45 : i32
      %add3A_88 = arith.constant 2 : i32
      %add3A_89 = arith.addi %add3A_73, %add3A_88 : i32
      %lt3A = arith.constant 128 : i32
      %lt3A_90 = arith.cmpi slt, %add3A_89, %lt3A : i32
      %convert_element_type3A = arith.extui %lt3A_90 : i1 to i32
      %cond3A = arith.constant 0 : i32
      %cond3A_91 = arith.cmpi ne, %convert_element_type3A, %cond3A : i32
      scf.if %cond3A_91 {
        %mul3A_183 = arith.constant 5760 : i32
        %mul3A_184 = arith.muli %add3A_89, %mul3A_183 : i32
        %add3A_185 = arith.addi %mul3A_4, %mul3A_184 : i32
        %dma_start3A_186 = tpu.memref_slice %arg3[%add3A_185] : memref<23592960xi32, #tpu.memory_space<hbm>> -> memref<5760xi32, #tpu.memory_space<hbm>>
        %dma_start3A_187 = tpu.memref_slice %arg3[%add3A_185] : memref<23592960xi32, #tpu.memory_space<hbm>> -> memref<5760xi32, #tpu.memory_space<hbm>>
        tpu.enqueue_dma source(%dma_start3A_187 : memref<5760xi32, #tpu.memory_space<hbm>>) target(%arg8 : memref<5760xi32, #tpu.memory_space<vmem>>) target_semaphore(%arg14 : memref<!tpu.dma_semaphore, #tpu.memory_space<semaphore_mem>>)
        %dma_start3A_188 = tpu.memref_slice %arg4[%add3A_185] : memref<23592960xf32, #tpu.memory_space<hbm>> -> memref<5760xf32, #tpu.memory_space<hbm>>
        %dma_start3A_189 = tpu.memref_slice %arg4[%add3A_185] : memref<23592960xf32, #tpu.memory_space<hbm>> -> memref<5760xf32, #tpu.memory_space<hbm>>
        tpu.enqueue_dma source(%dma_start3A_189 : memref<5760xf32, #tpu.memory_space<hbm>>) target(%arg10 : memref<5760xf32, #tpu.memory_space<vmem>>) target_semaphore(%arg16 : memref<!tpu.dma_semaphore, #tpu.memory_space<semaphore_mem>>)
      } else {
      }
      %add3A_92 = arith.addf %scan3A_86#0, %scan3A_86#1 : vector<16xf32>
      %add3A_93 = arith.addf %scan3A_86#2, %scan3A_86#3 : vector<16xf32>
      %add3A_94 = arith.addf %scan3A_86#4, %scan3A_86#5 : vector<16xf32>
      %add3A_95 = arith.addf %scan3A_86#6, %scan3A_86#7 : vector<16xf32>
      %add3A_96 = arith.addf %add3A_92, %add3A_93 : vector<16xf32>
      %add3A_97 = arith.addf %add3A_94, %add3A_95 : vector<16xf32>
      %add3A_98 = arith.addf %add3A_96, %add3A_97 : vector<16xf32>
      %mul3A_99 = arith.constant 0.00872664619 : f32
      %mul3A_100 = vector.broadcast %mul3A_99 : f32 to vector<16xf32>
      %mul3A_101 = arith.mulf %add3A_98, %mul3A_100 : vector<16xf32>
      %mul3A_102 = arith.constant 16 : i32
      %mul3A_103 = arith.muli %add3A_73, %mul3A_102 : i32
      %get3A = arith.index_cast %mul3A_103 : i32 to index
      %get3A_104 = tpu.vector_load %arg12[%get3A] {strides = array<i32>} : memref<2048xf32, #tpu.memory_space<vmem>>, vector<16xf32>,
      %add3A_105 = arith.addf %mul3A_101, %get3A_104 : vector<16xf32>
      %mul3A_106 = arith.constant 16 : i32
      %mul3A_107 = arith.muli %add3A_73, %mul3A_106 : i32
      %sub3A_108 = arith.constant 2032 : i32
      %sub3A_109 = arith.subi %sub3A_108, %mul3A_107 : i32
      %rev3A = arith.constant 15 : i32
      %rev3A_110 = vector.broadcast %rev3A : i32 to vector<16xi32>
      %rev3A_111 = tpu.iota {dimensions = array<i32: 0>} : vector<16xi32>
      %rev3A_112 = arith.subi %rev3A_110, %rev3A_111 : vector<16xi32>
      %rev3A_113 = tpu.dynamic_gather %add3A_105[%rev3A_112] in [0] : vector<16xf32>, vector<16xi32> -> vector<16xf32>
      %shift_right_arithmetic3A = arith.constant 8 : i32
      %shift_right_arithmetic3A_114 = arith.shrsi %sub3A_109, %shift_right_arithmetic3A : i32
      %and3A_115 = arith.constant 255 : i32
      %and3A_116 = arith.andi %sub3A_109, %and3A_115 : i32
      %swap3A = arith.constant 0 : i32
      %swap3A_117 = arith.constant 0 : i32
      %swap3A_118 = arith.index_cast %swap3A : i32 to index
      %swap3A_119 = arith.index_cast %swap3A_117 : i32 to index
      %swap3A_120 = arith.index_cast %shift_right_arithmetic3A_114 : i32 to index
      %swap3A_121 = arith.index_cast %and3A_116 : i32 to index
      %swap3A_122 = tpu.vector_load %arg13[%swap3A_118, %swap3A_119, %swap3A_120, %swap3A_121] {strides = array<i32>} : memref<1x1x8x256xf32, #tpu.memory_space<vmem>>, vector<16xf32>,
      tpu.vector_store %arg13[%swap3A_118, %swap3A_119, %swap3A_120, %swap3A_121], %rev3A_113 {strides = array<i32>} : memref<1x1x8x256xf32, #tpu.memory_space<vmem>>, vector<16xf32>,
      %add3A_123 = arith.constant 1 : i32
      %add3A_124 = arith.addi %add3A_71, %add3A_123 : i32
      %dma_wait3A_125 = arith.constant 0 : i32
      %dma_wait3A_126 = tpu.memref_slice %arg3[%dma_wait3A_125] : memref<23592960xi32, #tpu.memory_space<hbm>> -> memref<5760xi32, #tpu.memory_space<hbm>>
      %dma_wait3A_127 = arith.constant 0 : i32
      %dma_wait3A_128 = tpu.memref_slice %arg3[%dma_wait3A_127] : memref<23592960xi32, #tpu.memory_space<hbm>> -> memref<5760xi32, #tpu.memory_space<hbm>>
      tpu.wait_dma2 semaphore(%arg15 : memref<!tpu.dma_semaphore, #tpu.memory_space<semaphore_mem>>) src(%dma_wait3A_128 : memref<5760xi32, #tpu.memory_space<hbm>>) dst(%arg9 : memref<5760xi32, #tpu.memory_space<vmem>>)
      %dma_wait3A_129 = arith.constant 0 : i32
      %dma_wait3A_130 = tpu.memref_slice %arg4[%dma_wait3A_129] : memref<23592960xf32, #tpu.memory_space<hbm>> -> memref<5760xf32, #tpu.memory_space<hbm>>
      %dma_wait3A_131 = arith.constant 0 : i32
      %dma_wait3A_132 = tpu.memref_slice %arg4[%dma_wait3A_131] : memref<23592960xf32, #tpu.memory_space<hbm>> -> memref<5760xf32, #tpu.memory_space<hbm>>
      tpu.wait_dma2 semaphore(%arg17 : memref<!tpu.dma_semaphore, #tpu.memory_space<semaphore_mem>>) src(%dma_wait3A_132 : memref<5760xf32, #tpu.memory_space<hbm>>) dst(%arg11 : memref<5760xf32, #tpu.memory_space<vmem>>)
      %broadcast_in_dim3A_133 = arith.constant 0.000000e+00 : f32
      %broadcast_in_dim3A_134 = vector.broadcast %broadcast_in_dim3A_133 : f32 to vector<16xf32>
      %scan3A_135 = arith.constant 0 : i32
      %scan3A_136 = arith.constant 45 : i32
      %scan3A_137 = arith.addi %scan3A_135, %scan3A_136 : i32
      %scan3A_138 = arith.constant 1 : i32
      %scan3A_139:8 = scf.for %scan3A_183 = %scan3A_135 to %scan3A_137 step %scan3A_138 iter_args(%scan3A_184 = %broadcast_in_dim3A_134, %scan3A_185 = %broadcast_in_dim3A_134, %scan3A_186 = %broadcast_in_dim3A_134, %scan3A_187 = %broadcast_in_dim3A_134, %scan3A_188 = %broadcast_in_dim3A_134, %scan3A_189 = %broadcast_in_dim3A_134, %scan3A_190 = %broadcast_in_dim3A_134, %scan3A_191 = %broadcast_in_dim3A_134) -> (vector<16xf32>, vector<16xf32>, vector<16xf32>, vector<16xf32>, vector<16xf32>, vector<16xf32>, vector<16xf32>, vector<16xf32>)  : i32 {
        %mul3A_192 = arith.constant 8 : i32
        %mul3A_193 = arith.muli %scan3A_183, %mul3A_192 : i32
        %gather3A = tpu.memref_slice %arg9[%mul3A_193] : memref<5760xi32, #tpu.memory_space<vmem>> -> memref<5408xi32, #tpu.memory_space<vmem>>
        %gather3A_194 = tpu.vector_load_idx %gather3A[%add3A_21] : memref<5408xi32, #tpu.memory_space<vmem>>[vector<16xi32>], vector<16xi32>,
        %gather3A_195 = tpu.memref_slice %arg11[%mul3A_193] : memref<5760xf32, #tpu.memory_space<vmem>> -> memref<5408xf32, #tpu.memory_space<vmem>>
        %gather3A_196 = tpu.vector_load_idx %gather3A_195[%add3A_21] : memref<5408xf32, #tpu.memory_space<vmem>>[vector<16xi32>], vector<16xf32>,
        %ge3A = arith.constant 92160 : i32
        %ge3A_197 = vector.broadcast %ge3A : i32 to vector<16xi32>
        %ge3A_198 = arith.cmpi sge, %gather3A_194, %ge3A_197 : vector<16xi32>
        %sub3A_199 = arith.constant 92160 : i32
        %sub3A_200 = vector.broadcast %sub3A_199 : i32 to vector<16xi32>
        %sub3A_201 = arith.subi %gather3A_194, %sub3A_200 : vector<16xi32>
        %select_n3A_202 = arith.select %ge3A_198, %sub3A_201, %gather3A_194 : vector<16xi1>, vector<16xi32>
        %gather3A_203 = tpu.vector_load_idx %arg7[%select_n3A_202] : memref<92160xi32, #tpu.memory_space<vmem>>[vector<16xi32>], vector<16xi32>,
        %and3A_204 = arith.constant -65536 : i32
        %and3A_205 = vector.broadcast %and3A_204 : i32 to vector<16xi32>
        %and3A_206 = arith.andi %gather3A_203, %and3A_205 : vector<16xi32>
        %shift_left3A = arith.constant 16 : i32
        %shift_left3A_207 = vector.broadcast %shift_left3A : i32 to vector<16xi32>
        %shift_left3A_208 = arith.shli %gather3A_203, %shift_left3A_207 : vector<16xi32>
        %select_n3A_209 = arith.select %ge3A_198, %and3A_206, %shift_left3A_208 : vector<16xi1>, vector<16xi32>
        %bitcast3A = vector.bitcast %select_n3A_209 : vector<16xi32> to vector<16xf32>
        %mul3A_210 = arith.mulf %gather3A_196, %bitcast3A : vector<16xf32>
        %add3A_211 = arith.addf %scan3A_184, %mul3A_210 : vector<16xf32>
        %mul3A_212 = arith.constant 8 : i32
        %mul3A_213 = arith.muli %scan3A_183, %mul3A_212 : i32
        %gather3A_214 = tpu.memref_slice %arg9[%mul3A_213] : memref<5760xi32, #tpu.memory_space<vmem>> -> memref<5408xi32, #tpu.memory_space<vmem>>
        %gather3A_215 = tpu.vector_load_idx %gather3A_214[%add3A_24] : memref<5408xi32, #tpu.memory_space<vmem>>[vector<16xi32>], vector<16xi32>,
        %gather3A_216 = tpu.memref_slice %arg11[%mul3A_213] : memref<5760xf32, #tpu.memory_space<vmem>> -> memref<5408xf32, #tpu.memory_space<vmem>>
        %gather3A_217 = tpu.vector_load_idx %gather3A_216[%add3A_24] : memref<5408xf32, #tpu.memory_space<vmem>>[vector<16xi32>], vector<16xf32>,
        %ge3A_218 = arith.constant 92160 : i32
        %ge3A_219 = vector.broadcast %ge3A_218 : i32 to vector<16xi32>
        %ge3A_220 = arith.cmpi sge, %gather3A_215, %ge3A_219 : vector<16xi32>
        %sub3A_221 = arith.constant 92160 : i32
        %sub3A_222 = vector.broadcast %sub3A_221 : i32 to vector<16xi32>
        %sub3A_223 = arith.subi %gather3A_215, %sub3A_222 : vector<16xi32>
        %select_n3A_224 = arith.select %ge3A_220, %sub3A_223, %gather3A_215 : vector<16xi1>, vector<16xi32>
        %gather3A_225 = tpu.vector_load_idx %arg7[%select_n3A_224] : memref<92160xi32, #tpu.memory_space<vmem>>[vector<16xi32>], vector<16xi32>,
        %and3A_226 = arith.constant -65536 : i32
        %and3A_227 = vector.broadcast %and3A_226 : i32 to vector<16xi32>
        %and3A_228 = arith.andi %gather3A_225, %and3A_227 : vector<16xi32>
        %shift_left3A_229 = arith.constant 16 : i32
        %shift_left3A_230 = vector.broadcast %shift_left3A_229 : i32 to vector<16xi32>
        %shift_left3A_231 = arith.shli %gather3A_225, %shift_left3A_230 : vector<16xi32>
        %select_n3A_232 = arith.select %ge3A_220, %and3A_228, %shift_left3A_231 : vector<16xi1>, vector<16xi32>
        %bitcast3A_233 = vector.bitcast %select_n3A_232 : vector<16xi32> to vector<16xf32>
        %mul3A_234 = arith.mulf %gather3A_217, %bitcast3A_233 : vector<16xf32>
        %add3A_235 = arith.addf %scan3A_185, %mul3A_234 : vector<16xf32>
        %mul3A_236 = arith.constant 8 : i32
        %mul3A_237 = arith.muli %scan3A_183, %mul3A_236 : i32
        %gather3A_238 = tpu.memref_slice %arg9[%mul3A_237] : memref<5760xi32, #tpu.memory_space<vmem>> -> memref<5408xi32, #tpu.memory_space<vmem>>
        %gather3A_239 = tpu.vector_load_idx %gather3A_238[%add3A_27] : memref<5408xi32, #tpu.memory_space<vmem>>[vector<16xi32>], vector<16xi32>,
        %gather3A_240 = tpu.memref_slice %arg11[%mul3A_237] : memref<5760xf32, #tpu.memory_space<vmem>> -> memref<5408xf32, #tpu.memory_space<vmem>>
        %gather3A_241 = tpu.vector_load_idx %gather3A_240[%add3A_27] : memref<5408xf32, #tpu.memory_space<vmem>>[vector<16xi32>], vector<16xf32>,
        %ge3A_242 = arith.constant 92160 : i32
        %ge3A_243 = vector.broadcast %ge3A_242 : i32 to vector<16xi32>
        %ge3A_244 = arith.cmpi sge, %gather3A_239, %ge3A_243 : vector<16xi32>
        %sub3A_245 = arith.constant 92160 : i32
        %sub3A_246 = vector.broadcast %sub3A_245 : i32 to vector<16xi32>
        %sub3A_247 = arith.subi %gather3A_239, %sub3A_246 : vector<16xi32>
        %select_n3A_248 = arith.select %ge3A_244, %sub3A_247, %gather3A_239 : vector<16xi1>, vector<16xi32>
        %gather3A_249 = tpu.vector_load_idx %arg7[%select_n3A_248] : memref<92160xi32, #tpu.memory_space<vmem>>[vector<16xi32>], vector<16xi32>,
        %and3A_250 = arith.constant -65536 : i32
        %and3A_251 = vector.broadcast %and3A_250 : i32 to vector<16xi32>
        %and3A_252 = arith.andi %gather3A_249, %and3A_251 : vector<16xi32>
        %shift_left3A_253 = arith.constant 16 : i32
        %shift_left3A_254 = vector.broadcast %shift_left3A_253 : i32 to vector<16xi32>
        %shift_left3A_255 = arith.shli %gather3A_249, %shift_left3A_254 : vector<16xi32>
        %select_n3A_256 = arith.select %ge3A_244, %and3A_252, %shift_left3A_255 : vector<16xi1>, vector<16xi32>
        %bitcast3A_257 = vector.bitcast %select_n3A_256 : vector<16xi32> to vector<16xf32>
        %mul3A_258 = arith.mulf %gather3A_241, %bitcast3A_257 : vector<16xf32>
        %add3A_259 = arith.addf %scan3A_186, %mul3A_258 : vector<16xf32>
        %mul3A_260 = arith.constant 8 : i32
        %mul3A_261 = arith.muli %scan3A_183, %mul3A_260 : i32
        %gather3A_262 = tpu.memref_slice %arg9[%mul3A_261] : memref<5760xi32, #tpu.memory_space<vmem>> -> memref<5408xi32, #tpu.memory_space<vmem>>
        %gather3A_263 = tpu.vector_load_idx %gather3A_262[%add3A_30] : memref<5408xi32, #tpu.memory_space<vmem>>[vector<16xi32>], vector<16xi32>,
        %gather3A_264 = tpu.memref_slice %arg11[%mul3A_261] : memref<5760xf32, #tpu.memory_space<vmem>> -> memref<5408xf32, #tpu.memory_space<vmem>>
        %gather3A_265 = tpu.vector_load_idx %gather3A_264[%add3A_30] : memref<5408xf32, #tpu.memory_space<vmem>>[vector<16xi32>], vector<16xf32>,
        %ge3A_266 = arith.constant 92160 : i32
        %ge3A_267 = vector.broadcast %ge3A_266 : i32 to vector<16xi32>
        %ge3A_268 = arith.cmpi sge, %gather3A_263, %ge3A_267 : vector<16xi32>
        %sub3A_269 = arith.constant 92160 : i32
        %sub3A_270 = vector.broadcast %sub3A_269 : i32 to vector<16xi32>
        %sub3A_271 = arith.subi %gather3A_263, %sub3A_270 : vector<16xi32>
        %select_n3A_272 = arith.select %ge3A_268, %sub3A_271, %gather3A_263 : vector<16xi1>, vector<16xi32>
        %gather3A_273 = tpu.vector_load_idx %arg7[%select_n3A_272] : memref<92160xi32, #tpu.memory_space<vmem>>[vector<16xi32>], vector<16xi32>,
        %and3A_274 = arith.constant -65536 : i32
        %and3A_275 = vector.broadcast %and3A_274 : i32 to vector<16xi32>
        %and3A_276 = arith.andi %gather3A_273, %and3A_275 : vector<16xi32>
        %shift_left3A_277 = arith.constant 16 : i32
        %shift_left3A_278 = vector.broadcast %shift_left3A_277 : i32 to vector<16xi32>
        %shift_left3A_279 = arith.shli %gather3A_273, %shift_left3A_278 : vector<16xi32>
        %select_n3A_280 = arith.select %ge3A_268, %and3A_276, %shift_left3A_279 : vector<16xi1>, vector<16xi32>
        %bitcast3A_281 = vector.bitcast %select_n3A_280 : vector<16xi32> to vector<16xf32>
        %mul3A_282 = arith.mulf %gather3A_265, %bitcast3A_281 : vector<16xf32>
        %add3A_283 = arith.addf %scan3A_187, %mul3A_282 : vector<16xf32>
        %mul3A_284 = arith.constant 8 : i32
        %mul3A_285 = arith.muli %scan3A_183, %mul3A_284 : i32
        %gather3A_286 = tpu.memref_slice %arg9[%mul3A_285] : memref<5760xi32, #tpu.memory_space<vmem>> -> memref<5408xi32, #tpu.memory_space<vmem>>
        %gather3A_287 = tpu.vector_load_idx %gather3A_286[%add3A_33] : memref<5408xi32, #tpu.memory_space<vmem>>[vector<16xi32>], vector<16xi32>,
        %gather3A_288 = tpu.memref_slice %arg11[%mul3A_285] : memref<5760xf32, #tpu.memory_space<vmem>> -> memref<5408xf32, #tpu.memory_space<vmem>>
        %gather3A_289 = tpu.vector_load_idx %gather3A_288[%add3A_33] : memref<5408xf32, #tpu.memory_space<vmem>>[vector<16xi32>], vector<16xf32>,
        %ge3A_290 = arith.constant 92160 : i32
        %ge3A_291 = vector.broadcast %ge3A_290 : i32 to vector<16xi32>
        %ge3A_292 = arith.cmpi sge, %gather3A_287, %ge3A_291 : vector<16xi32>
        %sub3A_293 = arith.constant 92160 : i32
        %sub3A_294 = vector.broadcast %sub3A_293 : i32 to vector<16xi32>
        %sub3A_295 = arith.subi %gather3A_287, %sub3A_294 : vector<16xi32>
        %select_n3A_296 = arith.select %ge3A_292, %sub3A_295, %gather3A_287 : vector<16xi1>, vector<16xi32>
        %gather3A_297 = tpu.vector_load_idx %arg7[%select_n3A_296] : memref<92160xi32, #tpu.memory_space<vmem>>[vector<16xi32>], vector<16xi32>,
        %and3A_298 = arith.constant -65536 : i32
        %and3A_299 = vector.broadcast %and3A_298 : i32 to vector<16xi32>
        %and3A_300 = arith.andi %gather3A_297, %and3A_299 : vector<16xi32>
        %shift_left3A_301 = arith.constant 16 : i32
        %shift_left3A_302 = vector.broadcast %shift_left3A_301 : i32 to vector<16xi32>
        %shift_left3A_303 = arith.shli %gather3A_297, %shift_left3A_302 : vector<16xi32>
        %select_n3A_304 = arith.select %ge3A_292, %and3A_300, %shift_left3A_303 : vector<16xi1>, vector<16xi32>
        %bitcast3A_305 = vector.bitcast %select_n3A_304 : vector<16xi32> to vector<16xf32>
        %mul3A_306 = arith.mulf %gather3A_289, %bitcast3A_305 : vector<16xf32>
        %add3A_307 = arith.addf %scan3A_188, %mul3A_306 : vector<16xf32>
        %mul3A_308 = arith.constant 8 : i32
        %mul3A_309 = arith.muli %scan3A_183, %mul3A_308 : i32
        %gather3A_310 = tpu.memref_slice %arg9[%mul3A_309] : memref<5760xi32, #tpu.memory_space<vmem>> -> memref<5408xi32, #tpu.memory_space<vmem>>
        %gather3A_311 = tpu.vector_load_idx %gather3A_310[%add3A_36] : memref<5408xi32, #tpu.memory_space<vmem>>[vector<16xi32>], vector<16xi32>,
        %gather3A_312 = tpu.memref_slice %arg11[%mul3A_309] : memref<5760xf32, #tpu.memory_space<vmem>> -> memref<5408xf32, #tpu.memory_space<vmem>>
        %gather3A_313 = tpu.vector_load_idx %gather3A_312[%add3A_36] : memref<5408xf32, #tpu.memory_space<vmem>>[vector<16xi32>], vector<16xf32>,
        %ge3A_314 = arith.constant 92160 : i32
        %ge3A_315 = vector.broadcast %ge3A_314 : i32 to vector<16xi32>
        %ge3A_316 = arith.cmpi sge, %gather3A_311, %ge3A_315 : vector<16xi32>
        %sub3A_317 = arith.constant 92160 : i32
        %sub3A_318 = vector.broadcast %sub3A_317 : i32 to vector<16xi32>
        %sub3A_319 = arith.subi %gather3A_311, %sub3A_318 : vector<16xi32>
        %select_n3A_320 = arith.select %ge3A_316, %sub3A_319, %gather3A_311 : vector<16xi1>, vector<16xi32>
        %gather3A_321 = tpu.vector_load_idx %arg7[%select_n3A_320] : memref<92160xi32, #tpu.memory_space<vmem>>[vector<16xi32>], vector<16xi32>,
        %and3A_322 = arith.constant -65536 : i32
        %and3A_323 = vector.broadcast %and3A_322 : i32 to vector<16xi32>
        %and3A_324 = arith.andi %gather3A_321, %and3A_323 : vector<16xi32>
        %shift_left3A_325 = arith.constant 16 : i32
        %shift_left3A_326 = vector.broadcast %shift_left3A_325 : i32 to vector<16xi32>
        %shift_left3A_327 = arith.shli %gather3A_321, %shift_left3A_326 : vector<16xi32>
        %select_n3A_328 = arith.select %ge3A_316, %and3A_324, %shift_left3A_327 : vector<16xi1>, vector<16xi32>
        %bitcast3A_329 = vector.bitcast %select_n3A_328 : vector<16xi32> to vector<16xf32>
        %mul3A_330 = arith.mulf %gather3A_313, %bitcast3A_329 : vector<16xf32>
        %add3A_331 = arith.addf %scan3A_189, %mul3A_330 : vector<16xf32>
        %mul3A_332 = arith.constant 8 : i32
        %mul3A_333 = arith.muli %scan3A_183, %mul3A_332 : i32
        %gather3A_334 = tpu.memref_slice %arg9[%mul3A_333] : memref<5760xi32, #tpu.memory_space<vmem>> -> memref<5408xi32, #tpu.memory_space<vmem>>
        %gather3A_335 = tpu.vector_load_idx %gather3A_334[%add3A_39] : memref<5408xi32, #tpu.memory_space<vmem>>[vector<16xi32>], vector<16xi32>,
        %gather3A_336 = tpu.memref_slice %arg11[%mul3A_333] : memref<5760xf32, #tpu.memory_space<vmem>> -> memref<5408xf32, #tpu.memory_space<vmem>>
        %gather3A_337 = tpu.vector_load_idx %gather3A_336[%add3A_39] : memref<5408xf32, #tpu.memory_space<vmem>>[vector<16xi32>], vector<16xf32>,
        %ge3A_338 = arith.constant 92160 : i32
        %ge3A_339 = vector.broadcast %ge3A_338 : i32 to vector<16xi32>
        %ge3A_340 = arith.cmpi sge, %gather3A_335, %ge3A_339 : vector<16xi32>
        %sub3A_341 = arith.constant 92160 : i32
        %sub3A_342 = vector.broadcast %sub3A_341 : i32 to vector<16xi32>
        %sub3A_343 = arith.subi %gather3A_335, %sub3A_342 : vector<16xi32>
        %select_n3A_344 = arith.select %ge3A_340, %sub3A_343, %gather3A_335 : vector<16xi1>, vector<16xi32>
        %gather3A_345 = tpu.vector_load_idx %arg7[%select_n3A_344] : memref<92160xi32, #tpu.memory_space<vmem>>[vector<16xi32>], vector<16xi32>,
        %and3A_346 = arith.constant -65536 : i32
        %and3A_347 = vector.broadcast %and3A_346 : i32 to vector<16xi32>
        %and3A_348 = arith.andi %gather3A_345, %and3A_347 : vector<16xi32>
        %shift_left3A_349 = arith.constant 16 : i32
        %shift_left3A_350 = vector.broadcast %shift_left3A_349 : i32 to vector<16xi32>
        %shift_left3A_351 = arith.shli %gather3A_345, %shift_left3A_350 : vector<16xi32>
        %select_n3A_352 = arith.select %ge3A_340, %and3A_348, %shift_left3A_351 : vector<16xi1>, vector<16xi32>
        %bitcast3A_353 = vector.bitcast %select_n3A_352 : vector<16xi32> to vector<16xf32>
        %mul3A_354 = arith.mulf %gather3A_337, %bitcast3A_353 : vector<16xf32>
        %add3A_355 = arith.addf %scan3A_190, %mul3A_354 : vector<16xf32>
        %mul3A_356 = arith.constant 8 : i32
        %mul3A_357 = arith.muli %scan3A_183, %mul3A_356 : i32
        %gather3A_358 = tpu.memref_slice %arg9[%mul3A_357] : memref<5760xi32, #tpu.memory_space<vmem>> -> memref<5408xi32, #tpu.memory_space<vmem>>
        %gather3A_359 = tpu.vector_load_idx %gather3A_358[%add3A_42] : memref<5408xi32, #tpu.memory_space<vmem>>[vector<16xi32>], vector<16xi32>,
        %gather3A_360 = tpu.memref_slice %arg11[%mul3A_357] : memref<5760xf32, #tpu.memory_space<vmem>> -> memref<5408xf32, #tpu.memory_space<vmem>>
        %gather3A_361 = tpu.vector_load_idx %gather3A_360[%add3A_42] : memref<5408xf32, #tpu.memory_space<vmem>>[vector<16xi32>], vector<16xf32>,
        %ge3A_362 = arith.constant 92160 : i32
        %ge3A_363 = vector.broadcast %ge3A_362 : i32 to vector<16xi32>
        %ge3A_364 = arith.cmpi sge, %gather3A_359, %ge3A_363 : vector<16xi32>
        %sub3A_365 = arith.constant 92160 : i32
        %sub3A_366 = vector.broadcast %sub3A_365 : i32 to vector<16xi32>
        %sub3A_367 = arith.subi %gather3A_359, %sub3A_366 : vector<16xi32>
        %select_n3A_368 = arith.select %ge3A_364, %sub3A_367, %gather3A_359 : vector<16xi1>, vector<16xi32>
        %gather3A_369 = tpu.vector_load_idx %arg7[%select_n3A_368] : memref<92160xi32, #tpu.memory_space<vmem>>[vector<16xi32>], vector<16xi32>,
        %and3A_370 = arith.constant -65536 : i32
        %and3A_371 = vector.broadcast %and3A_370 : i32 to vector<16xi32>
        %and3A_372 = arith.andi %gather3A_369, %and3A_371 : vector<16xi32>
        %shift_left3A_373 = arith.constant 16 : i32
        %shift_left3A_374 = vector.broadcast %shift_left3A_373 : i32 to vector<16xi32>
        %shift_left3A_375 = arith.shli %gather3A_369, %shift_left3A_374 : vector<16xi32>
        %select_n3A_376 = arith.select %ge3A_364, %and3A_372, %shift_left3A_375 : vector<16xi1>, vector<16xi32>
        %bitcast3A_377 = vector.bitcast %select_n3A_376 : vector<16xi32> to vector<16xf32>
        %mul3A_378 = arith.mulf %gather3A_361, %bitcast3A_377 : vector<16xf32>
        %add3A_379 = arith.addf %scan3A_191, %mul3A_378 : vector<16xf32>
        scf.yield %add3A_211, %add3A_235, %add3A_259, %add3A_283, %add3A_307, %add3A_331, %add3A_355, %add3A_379 : vector<16xf32>, vector<16xf32>, vector<16xf32>, vector<16xf32>, vector<16xf32>, vector<16xf32>, vector<16xf32>, vector<16xf32>
      }
      %scan3A_140 = arith.constant 45 : i32
      %add3A_141 = arith.constant 2 : i32
      %add3A_142 = arith.addi %add3A_124, %add3A_141 : i32
      %lt3A_143 = arith.constant 128 : i32
      %lt3A_144 = arith.cmpi slt, %add3A_142, %lt3A_143 : i32
      %convert_element_type3A_145 = arith.extui %lt3A_144 : i1 to i32
      %cond3A_146 = arith.constant 0 : i32
      %cond3A_147 = arith.cmpi ne, %convert_element_type3A_145, %cond3A_146 : i32
      scf.if %cond3A_147 {
        %mul3A_183 = arith.constant 5760 : i32
        %mul3A_184 = arith.muli %add3A_142, %mul3A_183 : i32
        %add3A_185 = arith.addi %mul3A_4, %mul3A_184 : i32
        %dma_start3A_186 = tpu.memref_slice %arg3[%add3A_185] : memref<23592960xi32, #tpu.memory_space<hbm>> -> memref<5760xi32, #tpu.memory_space<hbm>>
        %dma_start3A_187 = tpu.memref_slice %arg3[%add3A_185] : memref<23592960xi32, #tpu.memory_space<hbm>> -> memref<5760xi32, #tpu.memory_space<hbm>>
        tpu.enqueue_dma source(%dma_start3A_187 : memref<5760xi32, #tpu.memory_space<hbm>>) target(%arg9 : memref<5760xi32, #tpu.memory_space<vmem>>) target_semaphore(%arg15 : memref<!tpu.dma_semaphore, #tpu.memory_space<semaphore_mem>>)
        %dma_start3A_188 = tpu.memref_slice %arg4[%add3A_185] : memref<23592960xf32, #tpu.memory_space<hbm>> -> memref<5760xf32, #tpu.memory_space<hbm>>
        %dma_start3A_189 = tpu.memref_slice %arg4[%add3A_185] : memref<23592960xf32, #tpu.memory_space<hbm>> -> memref<5760xf32, #tpu.memory_space<hbm>>
        tpu.enqueue_dma source(%dma_start3A_189 : memref<5760xf32, #tpu.memory_space<hbm>>) target(%arg11 : memref<5760xf32, #tpu.memory_space<vmem>>) target_semaphore(%arg17 : memref<!tpu.dma_semaphore, #tpu.memory_space<semaphore_mem>>)
      } else {
      }
      %add3A_148 = arith.addf %scan3A_139#0, %scan3A_139#1 : vector<16xf32>
      %add3A_149 = arith.addf %scan3A_139#2, %scan3A_139#3 : vector<16xf32>
      %add3A_150 = arith.addf %scan3A_139#4, %scan3A_139#5 : vector<16xf32>
      %add3A_151 = arith.addf %scan3A_139#6, %scan3A_139#7 : vector<16xf32>
      %add3A_152 = arith.addf %add3A_148, %add3A_149 : vector<16xf32>
      %add3A_153 = arith.addf %add3A_150, %add3A_151 : vector<16xf32>
      %add3A_154 = arith.addf %add3A_152, %add3A_153 : vector<16xf32>
      %mul3A_155 = arith.constant 0.00872664619 : f32
      %mul3A_156 = vector.broadcast %mul3A_155 : f32 to vector<16xf32>
      %mul3A_157 = arith.mulf %add3A_154, %mul3A_156 : vector<16xf32>
      %mul3A_158 = arith.constant 16 : i32
      %mul3A_159 = arith.muli %add3A_124, %mul3A_158 : i32
      %get3A_160 = arith.index_cast %mul3A_159 : i32 to index
      %get3A_161 = tpu.vector_load %arg12[%get3A_160] {strides = array<i32>} : memref<2048xf32, #tpu.memory_space<vmem>>, vector<16xf32>,
      %add3A_162 = arith.addf %mul3A_157, %get3A_161 : vector<16xf32>
      %mul3A_163 = arith.constant 16 : i32
      %mul3A_164 = arith.muli %add3A_124, %mul3A_163 : i32
      %sub3A_165 = arith.constant 2032 : i32
      %sub3A_166 = arith.subi %sub3A_165, %mul3A_164 : i32
      %rev3A_167 = arith.constant 15 : i32
      %rev3A_168 = vector.broadcast %rev3A_167 : i32 to vector<16xi32>
      %rev3A_169 = tpu.iota {dimensions = array<i32: 0>} : vector<16xi32>
      %rev3A_170 = arith.subi %rev3A_168, %rev3A_169 : vector<16xi32>
      %rev3A_171 = tpu.dynamic_gather %add3A_162[%rev3A_170] in [0] : vector<16xf32>, vector<16xi32> -> vector<16xf32>
      %shift_right_arithmetic3A_172 = arith.constant 8 : i32
      %shift_right_arithmetic3A_173 = arith.shrsi %sub3A_166, %shift_right_arithmetic3A_172 : i32
      %and3A_174 = arith.constant 255 : i32
      %and3A_175 = arith.andi %sub3A_166, %and3A_174 : i32
      %swap3A_176 = arith.constant 0 : i32
      %swap3A_177 = arith.constant 0 : i32
      %swap3A_178 = arith.index_cast %swap3A_176 : i32 to index
      %swap3A_179 = arith.index_cast %swap3A_177 : i32 to index
      %swap3A_180 = arith.index_cast %shift_right_arithmetic3A_173 : i32 to index
      %swap3A_181 = arith.index_cast %and3A_175 : i32 to index
      %swap3A_182 = tpu.vector_load %arg13[%swap3A_178, %swap3A_179, %swap3A_180, %swap3A_181] {strides = array<i32>} : memref<1x1x8x256xf32, #tpu.memory_space<vmem>>, vector<16xf32>,
      tpu.vector_store %arg13[%swap3A_178, %swap3A_179, %swap3A_180, %swap3A_181], %rev3A_171 {strides = array<i32>} : memref<1x1x8x256xf32, #tpu.memory_space<vmem>>, vector<16xf32>,
    }
    %scan3A_46 = arith.constant 64 : i32
    %sub3A = arith.constant 65536 : i32
    %sub3A_47 = arith.subi %sub3A, %mul3A_2 : i32
    %sub3A_48 = arith.constant 2048 : i32
    %sub3A_49 = arith.subi %sub3A_47, %sub3A_48 : i32
    %jit3A = arith.constant 256 : i32
    %div3A = arith.divsi %sub3A_49, %jit3A : i32
    %sign3A = arith.constant 0 : i32
    %sign3A_50 = arith.cmpi sgt, %sub3A_49, %sign3A : i32
    %sign3A_51 = arith.extui %sign3A_50 : i1 to i32
    %sign3A_52 = arith.constant 0 : i32
    %sign3A_53 = arith.cmpi slt, %sub3A_49, %sign3A_52 : i32
    %sign3A_54 = arith.extui %sign3A_53 : i1 to i32
    %sign3A_55 = arith.subi %sign3A_51, %sign3A_54 : i32
    %sign3A_56 = arith.constant 0 : i32
    %sign3A_57 = arith.cmpi sgt, %jit3A, %sign3A_56 : i32
    %sign3A_58 = arith.extui %sign3A_57 : i1 to i32
    %sign3A_59 = arith.constant 0 : i32
    %sign3A_60 = arith.cmpi slt, %jit3A, %sign3A_59 : i32
    %sign3A_61 = arith.extui %sign3A_60 : i1 to i32
    %sign3A_62 = arith.subi %sign3A_58, %sign3A_61 : i32
    %ne3A = arith.cmpi ne, %sign3A_55, %sign3A_62 : i32
    %rem3A = arith.remsi %sub3A_49, %jit3A : i32
    %ne3A_63 = arith.constant 0 : i32
    %ne3A_64 = arith.cmpi ne, %rem3A, %ne3A_63 : i32
    %and3A = arith.andi %ne3A, %ne3A_64 : i1
    %sub3A_65 = arith.constant 1 : i32
    %sub3A_66 = arith.subi %div3A, %sub3A_65 : i32
    %select_n3A = arith.select %and3A, %sub3A_66, %div3A : i32
    %multiple_of3A = tpu.assume_multiple %select_n3A, 8 : i32
    "tpu.region"() ({
      %run_scoped3A = tpu.sem_alloc : memref<!tpu.dma_semaphore, #tpu.memory_space<semaphore_mem>>
      %dma_start3A_67 = arith.constant 0 : i32
      %dma_start3A_68 = arith.constant 0 : i32
      %dma_start3A_69 = arith.constant 0 : i32
      %dma_start3A_70 = tpu.memref_slice %arg6[%dma_start3A_67, %dma_start3A_68, %multiple_of3A, %dma_start3A_69] : memref<1x1x256x256xf32, #tpu.memory_space<hbm>> -> memref<1x1x8x256xf32, #tpu.memory_space<hbm>>
      %dma_start3A_71 = arith.constant 0 : i32
      %dma_start3A_72 = arith.constant 0 : i32
      %dma_start3A_73 = arith.constant 0 : i32
      %dma_start3A_74 = tpu.memref_slice %arg6[%dma_start3A_71, %dma_start3A_72, %multiple_of3A, %dma_start3A_73] : memref<1x1x256x256xf32, #tpu.memory_space<hbm>> -> memref<1x1x8x256xf32, #tpu.memory_space<hbm>>
      tpu.enqueue_dma source(%arg13 : memref<1x1x8x256xf32, #tpu.memory_space<vmem>>) target(%dma_start3A_74 : memref<1x1x8x256xf32, #tpu.memory_space<hbm>>) target_semaphore(%run_scoped3A : memref<!tpu.dma_semaphore, #tpu.memory_space<semaphore_mem>>)
      %dma_wait3A = arith.constant 0 : i32
      %dma_wait3A_75 = arith.constant 0 : i32
      %dma_wait3A_76 = arith.constant 0 : i32
      %dma_wait3A_77 = tpu.memref_slice %arg6[%dma_wait3A, %dma_wait3A_75, %multiple_of3A, %dma_wait3A_76] : memref<1x1x256x256xf32, #tpu.memory_space<hbm>> -> memref<1x1x8x256xf32, #tpu.memory_space<hbm>>
      %dma_wait3A_78 = arith.constant 0 : i32
      %dma_wait3A_79 = arith.constant 0 : i32
      %dma_wait3A_80 = arith.constant 0 : i32
      %dma_wait3A_81 = tpu.memref_slice %arg6[%dma_wait3A_78, %dma_wait3A_79, %multiple_of3A, %dma_wait3A_80] : memref<1x1x256x256xf32, #tpu.memory_space<hbm>> -> memref<1x1x8x256xf32, #tpu.memory_space<hbm>>
      tpu.wait_dma2 semaphore(%run_scoped3A : memref<!tpu.dma_semaphore, #tpu.memory_space<semaphore_mem>>) src(%arg13 : memref<1x1x8x256xf32, #tpu.memory_space<vmem>>) dst(%dma_wait3A_81 : memref<1x1x8x256xf32, #tpu.memory_space<hbm>>)
      tpu.yield
    }) : () -> ()
    return
  }
}

</mosaic_0001>

<sc_bundles>
// kernel: kernel.3.cloned.1.call-start
scs
__scs_entry_jumppad:
0x0: {  	(pc) =	sbr.rel $0x88, $3  }
0x1: {  	(tag) =	ssettag $0x0;
	lr =	simm.s32 $0x1  }
0x2: {  	[smem:$0x3F9D] =	sst lr;
	_ =	strace $0xD0000000  }
0x3: {  	_ = 	snop  }
0x4: {  	_ = 	snop  }
0x5: {  	_ = 	snop  }
0x6: {  	_ = 	snop  }
0x7: {  	_ = 	snop  }
__scs_overlays_trampoline_lowered:
0x8: {  	[smem:$0x3FAC] =	sst s0  }
0x9: {  	[smem:$0x3FAD] =	sst s1  }
0xa: {  	[smem:$0x3FAE] =	sst s2  }
0xb: {  	[smem:$0x3FAF] =	sst s3  }
0xc: {  	[smem:$0x3FB0] =	sst s4  }
0xd: {  	[smem:$0x3FB1] =	sst s5  }
0xe: {  	[smem:$0x3FB2] =	sst s6  }
0xf: {  	[smem:$0x3FB3] =	sst s7  }
0x10: {  	[smem:$0x3FB4] =	sst s8  }
0x11: {  	[smem:$0x3FB5] =	sst s9;
	s0 =	simm.s32 @!p0 $0x0  }
0x12: {  	s1 =	sld [smem:$0x3F9B];
	s0 =	simm.s32 @p0 $0x1  }
0x13: {  	[smem:$0x3FB6] =	sst s0;
	s0 =	simm.s32 @!p1 $0x0  }
0x14: {  	s2 =	sld [smem:$0x3F9A];
	s0 =	simm.s32 @p1 $0x1  }
0x15: {  	[smem:$0x3FB7] =	sst s0;
	s0 =	simm.s32 @!p2 $0x0  }
0x16: {  	s3 =	sld [smem:$0x3FDB];
	s0 =	simm.s32 @p2 $0x1  }
0x17: {  	s4 =	simm.s32 $0x1BF5;
	[smem:$0x3FB9] =	sst s0  }
0x18: {  	s0 =	sld [smem:$0x3F9C];
	_ =	swait.ge [sflag:s4], $0x0  }
0x19: {  	s7 =	sld [smem:$0x3F9D]  }
0x1a: {  	s8 =	sadd.s32 $0xFFFFE003, lr  }
0x1b: {  	s9 =	sadd.s32 $0xFFFFFEF7, lr;
	s5 =	simm.s32 $0xFFFFFFFF;
	p2 =	slt.u32 s8, $0xFFFFF086  }
0x1c: {  	p1 =	slt.u32 s9, $0xF7A;
	s5 =	simm.s32 @!p2 $0x0  }
0x1d: {  	s5 =	simm.s32 @p1 $0x1;
	p0 =	seq.s32 s7, s2  }
0x1e: {  	s7 =	smul.u32 @!p0 $0xF7A, s2;
	p2 =	seq.s32 @!p0 s5, $0x0  }
0x1f: {  	s9 =	smul.u32 $0xF7A, s1;
	s8 =	simm.s32 @!p0 $0x1BF5;
	p2 =	por !p2, p0  }
0x20: {  	[sflag:s8] =	ssyncset.s32 @!p0 $0xFFFFF086;
	s6 =	sadd.s32 @!p0 s3, s7;
	s7 =	simm.s32 @!p0 $0x108  }
0x21: {  	s3 =	sadd.s32 s3, s9;
	s6 =	sadd.s32 @!p0 $0x88, s6;
	s7 =	simm.s32 @p2 $0x1082  }
0x22: {  	[simem:s7], [sflag:s8] =	dma.local @!p0 [hbm:s6], $0xF7A  }
0x23: {  	s9 =	sor.u32 $0xD0000000, s2;
	s6 =	simm.s32 $0x108;
	_ =	swait.ge @!p0 [sflag:s8], $0x0  }
0x24: {  	s3 =	sadd.s32 $0x88, s3;
	s6 =	simm.s32 @!p1 $0x1082;
	[sflag:s4] =	ssyncset.s32 $0xFFFFF086  }
0x25: {  	[simem:s6], [sflag:s4] =	dma.local [hbm:s3], $0xF7A  }
0x26: {  	[smem:$0x3F9D] =	sst s1;
	(tag) =	ssettag s2;
	_ =	strace s9  }
0x27: {  	s1 =	sld [smem:$0x3FAD]  }
0x28: {  	s2 =	sld [smem:$0x3FAE]  }
0x29: {  	s4 =	sld [smem:$0x3FB0]  }
0x2a: {  	p0 =	seq.s32 s5, $0x0;
	s5 =	sld [smem:$0x3FB1]  }
0x2b: {  	s6 =	sld [smem:$0x3FB2]  }
0x2c: {  	s7 =	sld [smem:$0x3FB3]  }
0x2d: {  	s3 =	simm.s32 $0x108;
	s8 =	sld [smem:$0x3FB4]  }
0x2e: {  	s3 =	simm.s32 @!p0 $0x1082;
	s9 =	sld [smem:$0x3FB5]  }
0x2f: {  	lr =	sadd.s32 s0, s3;
	s0 =	sld [smem:$0x3FAC]  }
0x30: {  	s3 =	sld [smem:$0x3FAF]  }
0x31: {  	[smem:$0x3FB8] =	sst s10  }
0x32: {  	s10 =	sld [smem:$0x3FB6];
	_ =	sdelay $0x3  }
0x33: {  	p0 =	seq.s32 s10, $0x1;
	s10 =	sld [smem:$0x3FB8];
	_ =	sdelay $0x3  }
0x34: {  	[smem:$0x3FB8] =	sst s10  }
0x35: {  	s10 =	sld [smem:$0x3FB7];
	_ =	sdelay $0x3  }
0x36: {  	p1 =	seq.s32 s10, $0x1;
	s10 =	sld [smem:$0x3FB8];
	_ =	sdelay $0x3  }
0x37: {  	[smem:$0x3FB8] =	sst s10  }
0x38: {  	s10 =	sld [smem:$0x3FB9]  }
0x39: {  	_ = 	snop;
	(pc) =	sbr.ind lr, $3  }
0x3a: {  	_ = 	snop  }
0x3b: {  	_ = 	snop  }
0x3c: {  	p2 =	seq.s32 s10, $0x1;
	s10 =	sld [smem:$0x3FB8]  }
0x3d: {  	_ =	shalt  }
0x3e: {  	_ =	shalt  }
0x3f: {  	_ =	shalt  }
0x40: {  	_ =	shalt  }
0x41: {  	_ =	shalt  }
0x42: {  	_ =	shalt  }
0x43: {  	_ =	shalt  }
0x44: {  	_ =	shalt  }
0x45: {  	_ =	shalt  }
0x46: {  	_ =	shalt  }
0x47: {  	_ =	shalt  }
0x48: {  	_ =	shalt  }
0x49: {  	_ =	shalt  }
0x4a: {  	_ =	shalt  }
0x4b: {  	_ =	shalt  }
0x4c: {  	_ =	shalt  }
0x4d: {  	_ =	shalt  }
0x4e: {  	_ =	shalt  }
0x4f: {  	_ =	shalt  }
0x50: {  	_ =	shalt  }
0x51: {  	_ =	shalt  }
0x52: {  	_ =	shalt  }
0x53: {  	_ =	shalt  }
0x54: {  	_ =	shalt  }
0x55: {  	_ =	shalt  }
0x56: {  	_ =	shalt  }
0x57: {  	_ =	shalt  }
0x58: {  	_ =	shalt  }
0x59: {  	_ =	shalt  }
0x5a: {  	_ =	shalt  }
0x5b: {  	_ =	shalt  }
0x5c: {  	_ =	shalt  }
0x5d: {  	_ =	shalt  }
0x5e: {  	_ =	shalt  }
0x5f: {  	_ =	shalt  }
0x60: {  	_ =	shalt  }
0x61: {  	_ =	shalt  }
0x62: {  	_ =	shalt  }
0x63: {  	_ =	shalt  }
0x64: {  	_ =	shalt  }
0x65: {  	_ =	shalt  }
0x66: {  	_ =	shalt  }
0x67: {  	_ =	shalt  }
0x68: {  	_ =	shalt  }
0x69: {  	_ =	shalt  }
0x6a: {  	_ =	shalt  }
0x6b: {  	_ =	shalt  }
0x6c: {  	_ =	shalt  }
0x6d: {  	_ =	shalt  }
0x6e: {  	_ =	shalt  }
0x6f: {  	_ =	shalt  }
0x70: {  	_ =	shalt  }
0x71: {  	_ =	shalt  }
0x72: {  	_ =	shalt  }
0x73: {  	_ =	shalt  }
0x74: {  	_ =	shalt  }
0x75: {  	_ =	shalt  }
0x76: {  	_ =	shalt  }
0x77: {  	_ =	shalt  }
0x78: {  	_ =	shalt  }
0x79: {  	_ =	shalt  }
0x7a: {  	_ =	shalt  }
0x7b: {  	_ =	shalt  }
0x7c: {  	_ =	shalt  }
0x7d: {  	_ =	shalt  }
0x7e: {  	_ =	shalt  }
0x7f: {  	_ =	shalt  }
0x80: {  	_ =	shalt  }
0x81: {  	_ =	shalt  }
0x82: {  	_ =	shalt  }
0x83: {  	_ =	shalt  }
0x84: {  	_ =	shalt  }
0x85: {  	_ =	shalt  }
0x86: {  	_ =	shalt  }
0x87: {  	_ =	shalt  }
.Lfunc_end0:
.L_simem_size_0:
called_computation_lowered:
.L_overlay_start_0:
0x88: {  	s2 =	sld [smem:$0x3FD9]  }
0x89: {  	s3 =	sld [smem:$0x3FFE];
	_ =	sdelay $0x1  }
0x8a: {  	s1 =	srdreg.scid  }
0x8b: {  	s0 =	sand.u32 $0x1, s1  }
0x8c: {  	s17 =	sshll.u32 s0, $0xA;
	s2 =	sadd.s32 s3, s2  }
0x8d: {  	s2 =	sadd.s32 s2, s17  }
0x8e: {  	[smem:$0x3FC4] =	sst s2  }
0x8f: {  	_ = 	snop  }
0x90: {  	s2 =	sld [smem:$0x3FC8]  }
0x91: {  	s18 =	sld [smem:$0x3FC7]  }
0x92: {  	s4 =	sld [smem:$0x3FC6]  }
0x93: {  	s5 =	sld [smem:$0x3FD0];
	(tm) =	ssettm $0x1  }
0x94: {  	s6 =	sld [smem:$0x3FFB];
	_ =	sdelay $0x3  }
0x95: {  	_ =	strace s6  }
0x96: {  	s6 =	sld [smem:$0x3FFC];
	_ =	sdelay $0x3  }
0x97: {  	_ =	strace s6  }
0x98: {  	s6 =	sld [smem:$0x3FFD];
	_ =	sdelay $0x3  }
0x99: {  	_ =	strace s6  }
0x9a: {  	_ =	strace $0x8FFFFFFF  }
0x9b: {  	s19 =	sld [smem:$0x3FDB];
	_ =	sdelay $0x1  }
0x9c: {  	s7 =	simm.s32 $_scs_section_size  }
0x9d: {  	s8 =	simm.s32 $_size__tile_overlayer_lowered;
	s9 =	simm.s32 $_tile_overlayer_lowered  }
0x9e: {  	s22 =	simm.s32 $0x1BFF;
	s21 =	sshll.u32 s9, $0x1;
	s6 =	sadd.s32 s7, s19  }
0x9f: {  	s10 =	simm.s32 $0x0;
	s20 =	sshll.u32 s8, $0x1;
	s8 =	sadd.s32 s21, s6  }
0xa0: {  	[timem:s10], [sflag:s22] =	dma.local [hbm:s8], s20  }
0xa1: {  	_ =	swait.ge [sflag:s22], s20  }
0xa2: {  	s7 =	ssub.s32 $0x0, s20;
	[sflag:s22] =	ssyncset.done $0x0  }
0xa3: {  	[sflag:s22] =	ssyncadd.s32 s7;
	_ =	sdelay $0x1  }
0xa4: {  	s23 =	simm.s32 $0x1B8B  }
0xa5: {  	_ =	swait.ge [sflag:s23], $0x1  }
0xa6: {  	[sflag:s23] =	ssyncset.done $0x0  }
0xa7: {  	s25 =	simm.s32 $0x1B8E;
	s24 =	sld [smem:$0x3FFE];
	[sflag:s23] =	ssyncadd.s32 $0xFFFFFFFF  }
0xa8: {  	s26 =	simm.s32 $execute0_lowered;
	[smem:$0x3FD2] =	sst s25  }
0xa9: {  	s8 =	sshll.u32 s26, $0x1;
	_ =	strace $0x80000046;
	[dreg:$0x1] =	wrdreg $0xFFFFFFFF  }
0xaa: {  	s28 =	simm.s32 $_size_execute0_lowered;
	s6 =	sadd.s32 s6, s8;
	[dreg:$0x0] =	wrdreg $0x0  }
0xab: {  	s8 =	sshll.u32 s28, $0x1;
	[dreg:$0x2] =	wrdreg s6  }
0xac: {  	[dreg:$0x3] =	wrdreg s8  }
0xad: {  	[dreg:$0x4] =	wrdreg $0xC0  }
0xae: {  	_ =	task [dreg:s10], $0x5FFFF  }
0xaf: {  	[dreg:$0x1] =	wrdreg $0xFFFFFFFF  }
0xb0: {  	[dreg:$0x0] =	wrdreg $0x60  }
0xb1: {  	[dreg:$0x2] =	wrdreg s24  }
0xb2: {  	[dreg:$0x3] =	wrdreg s2  }
0xb3: {  	[dreg:$0x4] =	wrdreg s18  }
0xb4: {  	[dreg:$0x5] =	wrdreg s4  }
0xb5: {  	[dreg:$0x6] =	wrdreg s5  }
0xb6: {  	[dreg:$0x7] =	wrdreg $0x9  }
0xb7: {  	_ =	task.clear_ibuf [dreg:s10], $0x8FFFF;
	_ =	strace $0x90000046  }
0xb8: {  	s29 =	simm.s32 $0x9;
	_ =	strace $0x80000048  }
0xb9: {  	_ =	swait.ge [sflag:s29], $0x1  }
0xba: {  	[sflag:s29] =	ssyncadd.s32 $0xFFFFFFFF  }
0xbb: {  	_ =	strace $0x90000048  }
0xbc: {  	_ =	sfence  }
0xbd: {  	s30 =	sld [smem:$0x0];
	_ =	sdelay $0x2  }
0xbe: {  	s31 =	sshll.u32 s1, $0xD;
	s1 =	sshrl.u32 s1, $0x2  }
0xbf: {  	s3 =	sand.u32 $0x4000, s31;
	s1 =	sadd.s32 s1, s30  }
0xc0: {  	s0 =	sor.u32 s3, s0;
	s1 =	sshll.u32 s1, $0x11  }
0xc1: {  	s0 =	sor.u32 s1, s0  }
0xc2: {  	s0 =	sadd.s32 $0x8F2B, s0  }
0xc3: {  	[sflag:s0] =	ssyncadd.remote.s32 $0x1  }
0xc4: {  	_ =	sfence.sel $0xFFFF  }
0xc5: {  	[dreg:$0x0] =	wrdreg $0xFFFFFFFF;
	(pc) =	sbr.abs _section_cstart, $3  }
0xc6: {  	[dreg:$0x1] =	wrdreg $0xFFFFFFFF  }
0xc7: {  	_ =	task.clear_ibuf [dreg:s10], $0x2FFFF;
	_ =	strace $0x9FFFFFFF  }
0xc8: {  	(tm) =	ssettm $0x7FFFFFFF  }
0xc9: {  	_ =	shalt  }
tec
execute0_lowered:
.L_overlay_start_1:
0x0: {  	(tag) =	ssettag $0x1  }
0x1: {  	s0 =	rddreg [dreg:$0x0]  }
0x2: {  	s1 =	rddreg [dreg:$0x1]  }
0x3: {  	s2 =	rddreg [dreg:$0x2]  }
0x4: {  	s3 =	rddreg [dreg:$0x3];
	s4 =	srdreg.scid  }
0x5: {  	s6 =	stileid.u32;
	s13 =	rddreg [dreg:$0x4]  }
0x6: {  	s15 =	simm.s32 $0x16800;
	s16 =	simm.s32 $0x19500;
	s17 =	simm.s32 $0x17E80  }
0x7: {  	s18 =	simm.s32 $0x1AB80;
	s19 =	simm.s32 $0x5;
	s20 =	simm.s32 $0x1C200  }
0x8: {  	s21 =	simm.s32 $0x1;
	s22 =	simm.s32 $0x3;
	s23 =	simm.s32 $0x2  }
0x9: {  	s24 =	simm.s32 $0x4;
	s25 =	simm.s32 $0x1CA00;
	s26 =	simm.s32 $0x0  }
0xa: {  	v3 =	vlaneseq.u32;
	s5 =	sand.u32 $0x1, s4;
	s6 =	sshll.u32 s6, $0x1;
	s4 =	simm.s32 $0x0  }
0xb: {  	v0 =	vmul.u32 $0x168, v3;
	s10 =	sor.u32 s5, s6;
	[smem:$0x7FF] =	sst s4;
	s29 =	ssub.s32 $0x2, s5  }
0xc: {  	s5 =	sadd.s32 $0x600, s0;
	s12 =	smul.u32 $0xB4000, s10;
	s7 =	sshrl.u32 s29, $0x1  }
0xd: {  	_ =	strace $0x80000047;
	s14 =	sshll.u32 s10, $0x8;
	v7 =	vor.u32 $0x7, v0;
	s30 =	ssub.s32 s29, s7  }
0xe: {  	s10 =	sadd.s32 s3, s14;
	s31 =	sxor.u32 $0x1F00, s14;
	s8 =	sshrl.u32 s12, $0x3  }
0xf: {  	v8 =	vmul.u32 $0xFFFFFFFF, v3;
	v1 =	vor.u32 $0x1, v0;
	s11 =	sor.u32 $0x2D00, s12;
	s12 =	sadd.s32 $0x4380, s12;
	s13 =	sadd.s32 s13, s31  }
0x10: {  	v2 =	vor.u32 $0x2, v0;
	v3 =	vor.u32 $0x3, v0;
	v4 =	vor.u32 $0x4, v0;
	s14 =	smax.u32 s30, $0x1;
	s6 =	sadd.s32 s1, s8;
	s9 =	sor.u32 $0x2D0, s8  }
0x11: {  	v5 =	vor.u32 $0x5, v0;
	v6 =	vor.u32 $0x6, v0;
	v8 =	vadd.s32 $0xF, v8;
	s7 =	sadd.s32 s2, s8;
	s8 =	sadd.s32 s1, s9;
	s9 =	sadd.s32 s2, s9  }
.LBB2_1:
0x12: {  	[tilespmem:s15], [sflag:$0x1] =	stream.linear.gather [hbm4b:s6+s4], $0x1680, $0x38;
	[tilespmem:$0x1D200] =	vst v63  }
0x13: {  	_ = 	snop  }
0x14: {  	[tilespmem:s16], [sflag:$0x3] =	stream.linear.gather [hbm4b:s7+s4], $0x1680, $0x38;
	[tilespmem:$0x1D200] =	vst v63  }
0x15: {  	_ = 	snop  }
0x16: {  	[tilespmem:s17], [sflag:$0x2] =	stream.linear.gather [hbm4b:s8+s4], $0x1680, $0x38;
	[tilespmem:$0x1D200] =	vst v63  }
0x17: {  	_ = 	snop  }
0x18: {  	[tilespmem:s18], [sflag:$0x4] =	stream.linear.gather [hbm4b:s9+s4], $0x1680, $0x38;
	[tilespmem:$0x1D200] =	vst v63  }
0x19: {  	_ = 	snop  }
0x1a: {  	[tilespmem:s4], [sflag:$0x5] =	stream.linear.gather [hbm4b:s5+s4], $0x16800, $0x38;
	[tilespmem:$0x1D200] =	vst v63  }
0x1b: {  	_ =	swait.ge [sflag:s19], $0x16800  }
0x1c: {  	[sflag:s19] =	ssyncset.done $0x0  }
0x1d: {  	[sflag:s19] =	ssyncadd.s32 $0xFFFE9800  }
0x1e: {  	[tilespmem:s20], [sflag:$0x5] =	stream.linear.gather [hbm4b:s10+s4], $0x800, $0x38;
	[tilespmem:$0x1D200] =	vst v63  }
0x1f: {  	_ =	swait.ge [sflag:s19], $0x800  }
0x20: {  	[sflag:s19] =	ssyncset.done $0x0  }
0x21: {  	s28 =	simm.s32 $0x0;
	[sflag:s19] =	ssyncadd.s32 $0xFFFFF800  }
.LBB2_2:
0x22: {  	_ =	swait.ge [sflag:s21], $0x1680  }
0x23: {  	[sflag:s21] =	ssyncset.done $0x0  }
0x24: {  	[sflag:s21] =	ssyncadd.s32 $0xFFFFE980  }
0x25: {  	_ =	swait.ge [sflag:s22], $0x1680  }
0x26: {  	[sflag:s22] =	ssyncset.done $0x0  }
0x27: {  	s3 =	simm.s32 $0x0;
	[sflag:s22] =	ssyncadd.s32 $0xFFFFE980  }
0x28: {  	v9 =	vld.idx.msk [tilespmem:v7+s3+$0x16800], $0xffff  }
0x29: {  	v10 =	vld.idx.msk [tilespmem:v0+s3+$0x16800], $0xffff  }
0x2a: {  	v11 =	vld.idx.msk [tilespmem:v1+s3+$0x16800], $0xffff  }
0x2b: {  	v12 =	vld.idx.msk [tilespmem:v2+s3+$0x16800], $0xffff  }
0x2c: {  	v13 =	vld.idx.msk [tilespmem:v3+s3+$0x16800], $0xffff  }
0x2d: {  	v14 =	vld.idx.msk [tilespmem:v4+s3+$0x16800], $0xffff;
	_ =	sdelay $0x1  }
0x2e: {  	vm6 =	vgt.s32 v9, $0x167FF;
	v15 =	vadd.s32 $0xFFFE9800, v9  }
0x2f: {  	v16 =	vld.idx.msk [tilespmem:v5+s3+$0x16800], $0xffff;
	vm7 =	vgt.s32 v10, $0x167FF;
	v17 =	vadd.s32 $0xFFFE9800, v10;
	vm5 =	vgt.s32 v11, $0x167FF  }
0x30: {  	v18 =	vld.idx.msk [tilespmem:v6+s3+$0x16800], $0xffff;
	vm1 =	vgt.s32 v12, $0x167FF;
	v19 =	vadd.s32 $0xFFFE9800, v12;
	v9 =	vsel vm6, v15, v9  }
0x31: {  	vm2 =	vgt.s32 v13, $0x167FF;
	vm3 =	vgt.s32 v14, $0x167FF;
	v10 =	vsel vm7, v17, v10  }
0x32: {  	v15 =	vadd.s32 $0xFFFE9800, v11;
	v12 =	vsel vm1, v19, v12;
	v19 =	vadd.s32 $0xFFFE9800, v13  }
0x33: {  	v20 =	vld.idx.msk [tilespmem:v0+s3+$0x19500], $0xffff;
	v11 =	vsel vm5, v15, v11;
	v13 =	vsel vm2, v19, v13;
	v19 =	vadd.s32 $0xFFFE9800, v14  }
0x34: {  	v21 =	vld.idx.msk [tilespmem:v7+s3+$0x19500], $0xffff;
	vm0 =	vgt.s32 v16, $0x167FF;
	v14 =	vsel vm3, v19, v14;
	v19 =	vadd.s32 $0xFFFE9800, v16  }
0x35: {  	vm4 =	vgt.s32 v18, $0x167FF;
	v22 =	vsel vm0, v19, v16;
	v16 =	vadd.s32 $0xFFFE9800, v18;
	v9 =	vld.idx.msk [tilespmem:v9+s4+$0x0], $0xffff  }
0x36: {  	v18 =	vsel vm4, v16, v18;
	v10 =	vld.idx.msk [tilespmem:v10+s4+$0x0], $0xffff  }
0x37: {  	v12 =	vld.idx.msk [tilespmem:v12+s4+$0x0], $0xffff  }
0x38: {  	v11 =	vld.idx.msk [tilespmem:v11+s4+$0x0], $0xffff  }
0x39: {  	v13 =	vld.idx.msk [tilespmem:v13+s4+$0x0], $0xffff  }
0x3a: {  	v25 =	vld.idx.msk [tilespmem:v14+s4+$0x0], $0xffff  }
0x3b: {  	v14 =	vimm.f32 $0.0e+00;
	v24 =	vld.idx.msk [tilespmem:v18+s4+$0x0], $0xffff;
	v18 =	vimm.f32 $0.0e+00  }
0x3c: {  	v17 =	vld.idx.msk [tilespmem:v1+s3+$0x19500], $0xffff;
	v16 =	vand.u32 $0xFFFF0000, v9;
	v9 =	vshll.u32 v9, $0x10;
	v23 =	vand.u32 $0xFFFF0000, v10  }
0x3d: {  	v15 =	vld.idx.msk [tilespmem:v2+s3+$0x19500], $0xffff;
	v10 =	vshll.u32 v10, $0x10;
	v28 =	vand.u32 $0xFFFF0000, v12;
	v29 =	vshll.u32 v12, $0x10  }
0x3e: {  	v19 =	vld.idx.msk [tilespmem:v3+s3+$0x19500], $0xffff;
	v12 =	vimm.f32 $0.0e+00;
	v9 =	vsel vm6, v16, v9;
	v16 =	vimm.f32 $0.0e+00  }
0x3f: {  	v26 =	vld.idx.msk [tilespmem:v22+s4+$0x0], $0xffff;
	v10 =	vsel vm7, v23, v10;
	v30 =	vand.u32 $0xFFFF0000, v13;
	v9 =	vmul.f32 v9, v21  }
0x40: {  	v22 =	vld.idx.msk [tilespmem:v6+s3+$0x19500], $0xffff;
	v23 =	vmul.f32 v10, v20;
	v10 =	vand.u32 $0xFFFF0000, v11;
	v11 =	vshll.u32 v11, $0x10  }
0x41: {  	v31 =	vshll.u32 v13, $0x10;
	v13 =	vimm.f32 $0.0e+00;
	v20 =	vld.idx.msk [tilespmem:v4+s3+$0x19500], $0xffff;
	v27 =	vsel vm5, v10, v11  }
0x42: {  	s29 =	simm.s32 $0x8;
	s30 =	simm.s32 $0x40;
	v21 =	vld.idx.msk [tilespmem:v5+s3+$0x19500], $0xffff;
	v11 =	vimm.f32 $0.0e+00;
	v10 =	vimm.f32 $0.0e+00;
	v9 =	vadd.f32 v9, v16  }
.LBB2_3:
0x43: {  	p0 =	sne.s32 s30, $0x580;
	v32 =	vld.idx.msk [tilespmem:v7+s29+$0x16800], $0xffff;
	v28 =	vsel vm1, v28, v29;
	v29 =	vand.u32 $0xFFFF0000, v25;
	v25 =	vshll.u32 v25, $0x10  }
0x44: {  	v30 =	vsel vm2, v30, v31;
	v31 =	vand.u32 $0xFFFF0000, v26;
	v26 =	vshll.u32 v26, $0x10;
	v33 =	vld.idx.msk [tilespmem:v0+s29+$0x16800], $0xffff  }
0x45: {  	v25 =	vsel vm3, v29, v25;
	v29 =	vand.u32 $0xFFFF0000, v24;
	v24 =	vshll.u32 v24, $0x10;
	v34 =	vld.idx.msk [tilespmem:v1+s29+$0x16800], $0xffff  }
0x46: {  	v17 =	vmul.f32 v27, v17;
	v26 =	vsel vm0, v31, v26;
	v24 =	vsel vm4, v29, v24;
	v35 =	vld.idx.msk [tilespmem:v2+s29+$0x16800], $0xffff  }
0x47: {  	v16 =	vadd.f32 v23, v16;
	v23 =	vmul.f32 v28, v15;
	v28 =	vmul.f32 v30, v19;
	v27 =	vld.idx.msk [tilespmem:v3+s29+$0x16800], $0xffff  }
0x48: {  	v18 =	vadd.f32 v17, v18;
	v20 =	vmul.f32 v25, v20;
	v21 =	vmul.f32 v26, v21;
	v29 =	vld.idx.msk [tilespmem:v4+s29+$0x16800], $0xffff  }
0x49: {  	v22 =	vmul.f32 v24, v22;
	vm6 =	vgt.s32 v32, $0x167FF;
	v15 =	vadd.s32 $0xFFFE9800, v32;
	v25 =	vld.idx.msk [tilespmem:v5+s29+$0x16800], $0xffff  }
0x4a: {  	vm7 =	vgt.s32 v33, $0x167FF;
	v17 =	vadd.s32 $0xFFFE9800, v33;
	v26 =	vsel vm6, v15, v32;
	v24 =	vld.idx.msk [tilespmem:v6+s29+$0x16800], $0xffff  }
0x4b: {  	v31 =	vsel vm7, v17, v33;
	vm5 =	vgt.s32 v34, $0x167FF;
	v15 =	vadd.s32 $0xFFFE9800, v34;
	v30 =	vld.idx.msk [tilespmem:v0+s29+$0x19500], $0xffff  }
0x4c: {  	v32 =	vsel vm5, v15, v34;
	vm1 =	vgt.s32 v35, $0x167FF;
	v19 =	vadd.s32 $0xFFFE9800, v35;
	v17 =	vld.idx.msk [tilespmem:v1+s29+$0x19500], $0xffff  }
0x4d: {  	v33 =	vsel vm1, v19, v35;
	vm2 =	vgt.s32 v27, $0x167FF;
	v34 =	vadd.s32 $0xFFFE9800, v27;
	v15 =	vld.idx.msk [tilespmem:v2+s29+$0x19500], $0xffff  }
0x4e: {  	v27 =	vsel vm2, v34, v27;
	vm3 =	vgt.s32 v29, $0x167FF;
	v34 =	vadd.s32 $0xFFFE9800, v29;
	v19 =	vld.idx.msk [tilespmem:v3+s29+$0x19500], $0xffff  }
0x4f: {  	v29 =	vsel vm3, v34, v29;
	vm0 =	vgt.s32 v25, $0x167FF;
	v34 =	vadd.s32 $0xFFFE9800, v25;
	v26 =	vld.idx.msk [tilespmem:v26+s4+$0x0], $0xffff  }
0x50: {  	v34 =	vsel vm0, v34, v25;
	vm4 =	vgt.s32 v24, $0x167FF;
	v25 =	vadd.s32 $0xFFFE9800, v24;
	v31 =	vld.idx.msk [tilespmem:v31+s4+$0x0], $0xffff  }
0x51: {  	v11 =	vadd.f32 v23, v11;
	v12 =	vadd.f32 v28, v12;
	v24 =	vsel vm4, v25, v24;
	v35 =	vld.idx.msk [tilespmem:v7+s29+$0x19500], $0xffff  }
0x52: {  	v13 =	vadd.f32 v20, v13;
	v14 =	vadd.f32 v21, v14;
	v28 =	vld.idx.msk [tilespmem:v32+s4+$0x0], $0xffff  }
0x53: {  	v10 =	vadd.f32 v22, v10;
	v21 =	vld.idx.msk [tilespmem:v33+s4+$0x0], $0xffff  }
0x54: {  	v22 =	vld.idx.msk [tilespmem:v27+s4+$0x0], $0xffff  }
0x55: {  	v20 =	vand.u32 $0xFFFF0000, v26;
	v23 =	vshll.u32 v26, $0x10;
	v25 =	vld.idx.msk [tilespmem:v29+s4+$0x0], $0xffff  }
.Ltmp0:
0x56: {  	v27 =	vand.u32 $0xFFFF0000, v31;
	v29 =	vshll.u32 v31, $0x10;
	v20 =	vsel vm6, v20, v23;
	v26 =	vld.idx.msk [tilespmem:v34+s4+$0x0], $0xffff;
	(pc) =	sbr.rel @p0 .LBB2_3-.Ltmp0, $4  }
0x57: {  	v23 =	vsel vm7, v27, v29;
	v27 =	vmul.f32 v20, v35;
	v24 =	vld.idx.msk [tilespmem:v24+s4+$0x0], $0xffff  }
0x58: {  	v23 =	vmul.f32 v23, v30;
	v30 =	vand.u32 $0xFFFF0000, v28;
	v31 =	vshll.u32 v28, $0x10;
	v20 =	vld.idx.msk [tilespmem:v4+s29+$0x19500], $0xffff  }
0x59: {  	v28 =	vand.u32 $0xFFFF0000, v21;
	v29 =	vshll.u32 v21, $0x10;
	v9 =	vadd.f32 v27, v9;
	v21 =	vld.idx.msk [tilespmem:v5+s29+$0x19500], $0xffff  }
0x5a: {  	v27 =	vsel vm5, v30, v31;
	v30 =	vand.u32 $0xFFFF0000, v22;
	v31 =	vshll.u32 v22, $0x10;
	v22 =	vld.idx.msk [tilespmem:v6+s29+$0x19500], $0xffff;
	s29 =	sshra.s32 s30, $0x2;
	s30 =	sadd.s32 $0x20, s30  }
0x5b: {  	_ =	sdelay $0x3  }
0x5c: {  	v32 =	vld.idx.msk [tilespmem:v7+s29+$0x16800], $0xffff  }
0x5d: {  	v28 =	vsel vm1, v28, v29;
	v29 =	vand.u32 $0xFFFF0000, v25;
	v25 =	vshll.u32 v25, $0x10;
	v33 =	vld.idx.msk [tilespmem:v0+s29+$0x16800], $0xffff  }
0x5e: {  	v30 =	vsel vm2, v30, v31;
	v31 =	vand.u32 $0xFFFF0000, v26;
	v26 =	vshll.u32 v26, $0x10;
	v34 =	vld.idx.msk [tilespmem:v1+s29+$0x16800], $0xffff  }
0x5f: {  	v35 =	vld.idx.msk [tilespmem:v2+s29+$0x16800], $0xffff;
	v17 =	vmul.f32 v27, v17;
	v16 =	vadd.f32 v23, v16;
	v25 =	vsel vm3, v29, v25  }
0x60: {  	v27 =	vld.idx.msk [tilespmem:v3+s29+$0x16800], $0xffff;
	v29 =	vand.u32 $0xFFFF0000, v24;
	v24 =	vshll.u32 v24, $0x10;
	v26 =	vsel vm0, v31, v26  }
0x61: {  	v23 =	vld.idx.msk [tilespmem:v4+s29+$0x16800], $0xffff;
	v24 =	vsel vm4, v29, v24;
	vm0 =	vgt.s32 v32, $0x167FF;
	v29 =	vadd.s32 $0xFFFE9800, v32  }
0x62: {  	v57 =	vld.idx.msk [tilespmem:v1+s29+$0x19500], $0xffff;
	vm6 =	vgt.s32 v33, $0x167FF;
	v36 =	vadd.s32 $0xFFFE9800, v33;
	v29 =	vsel vm0, v29, v32  }
0x63: {  	v59 =	vld.idx.msk [tilespmem:v2+s29+$0x19500], $0xffff;
	v19 =	vmul.f32 v30, v19;
	vm1 =	vgt.s32 v34, $0x167FF;
	v30 =	vsel vm6, v36, v33  }
0x64: {  	v31 =	vld.idx.msk [tilespmem:v5+s29+$0x16800], $0xffff;
	v56 =	vadd.s32 $0xFFFE9800, v34;
	vm2 =	vgt.s32 v35, $0x167FF;
	v58 =	vadd.s32 $0xFFFE9800, v35  }
0x65: {  	v37 =	vld.idx.msk [tilespmem:v7+s29+$0x19500], $0xffff;
	v15 =	vmul.f32 v28, v15;
	v32 =	vsel vm1, v56, v34;
	v34 =	vsel vm2, v58, v35  }
0x66: {  	v28 =	vld.idx.msk [tilespmem:v6+s29+$0x16800], $0xffff;
	v17 =	vadd.f32 v17, v18;
	vm4 =	vgt.s32 v23, $0x167FF;
	v61 =	vadd.s32 $0xFFFE9800, v23  }
0x67: {  	vm3 =	vgt.s32 v27, $0x167FF;
	v60 =	vadd.s32 $0xFFFE9800, v27;
	v23 =	vsel vm4, v61, v23;
	v29 =	vld.idx.msk [tilespmem:v29+s4+$0x0], $0xffff  }
0x68: {  	v20 =	vmul.f32 v25, v20;
	v21 =	vmul.f32 v26, v21;
	v27 =	vsel vm3, v60, v27;
	v30 =	vld.idx.msk [tilespmem:v30+s4+$0x0], $0xffff  }
0x69: {  	v18 =	vld.idx.msk [tilespmem:v0+s29+$0x19500], $0xffff;
	v11 =	vadd.f32 v15, v11;
	vm5 =	vgt.s32 v31, $0x167FF;
	v62 =	vadd.s32 $0xFFFE9800, v31  }
0x6a: {  	v12 =	vadd.f32 v19, v12;
	v22 =	vmul.f32 v24, v22;
	v31 =	vsel vm5, v62, v31;
	v15 =	vld.idx.msk [tilespmem:v34+s4+$0x0], $0xffff  }
0x6b: {  	v13 =	vadd.f32 v20, v13;
	vm7 =	vgt.s32 v28, $0x167FF;
	v63 =	vadd.s32 $0xFFFE9800, v28;
	v26 =	vld.idx.msk [tilespmem:v32+s4+$0x0], $0xffff  }
0x6c: {  	v14 =	vadd.f32 v21, v14;
	v25 =	vsel vm7, v63, v28;
	v21 =	vld.idx.msk [tilespmem:v23+s4+$0x0], $0xffff;
	v20 =	vand.u32 $0xFFFF0000, v29  }
0x6d: {  	v19 =	vld.idx.msk [tilespmem:v27+s4+$0x0], $0xffff;
	v23 =	vshll.u32 v29, $0x10;
	v24 =	vand.u32 $0xFFFF0000, v30;
	v27 =	vshll.u32 v30, $0x10  }
0x6e: {  	v10 =	vadd.f32 v22, v10;
	v28 =	vld.idx.msk [tilespmem:v4+s29+$0x19500], $0xffff;
	v20 =	vsel vm0, v20, v23;
	v23 =	vsel vm6, v24, v27  }
0x6f: {  	v22 =	vld.idx.msk [tilespmem:v31+s4+$0x0], $0xffff;
	v27 =	vand.u32 $0xFFFF0000, v15;
	v15 =	vshll.u32 v15, $0x10;
	v20 =	vmul.f32 v20, v37  }
0x70: {  	v29 =	vld.idx.msk [tilespmem:v6+s29+$0x19500], $0xffff;
	v18 =	vmul.f32 v23, v18;
	v23 =	vand.u32 $0xFFFF0000, v26;
	v26 =	vshll.u32 v26, $0x10  }
0x71: {  	v24 =	vld.idx.msk [tilespmem:v25+s4+$0x0], $0xffff;
	v15 =	vsel vm2, v27, v15;
	v27 =	vand.u32 $0xFFFF0000, v21;
	v21 =	vshll.u32 v21, $0x10  }
0x72: {  	v25 =	vld.idx.msk [tilespmem:v3+s29+$0x19500], $0xffff;
	v21 =	vsel vm4, v27, v21;
	v15 =	vmul.f32 v15, v59;
	v9 =	vadd.f32 v20, v9  }
0x73: {  	v20 =	vsel vm1, v23, v26;
	v23 =	vand.u32 $0xFFFF0000, v19;
	v26 =	vld.idx.msk [tilespmem:v5+s29+$0x19500], $0xffff;
	v19 =	vshll.u32 v19, $0x10  }
0x74: {  	v16 =	vadd.f32 v18, v16;
	v19 =	vsel vm3, v23, v19;
	v23 =	vand.u32 $0xFFFF0000, v22  }
0x75: {  	p0 =	seq.s32 s28, $0x3F;
	v22 =	vshll.u32 v22, $0x10;
	v20 =	vmul.f32 v20, v57;
	v11 =	vadd.f32 v15, v11  }
0x76: {  	s29 =	smul.u32 @!p0 $0x2D00, s28;
	v27 =	vand.u32 $0xFFFF0000, v24;
	v24 =	vshll.u32 v24, $0x10;
	v22 =	vsel vm5, v23, v22  }
0x77: {  	v18 =	vmul.f32 v19, v25;
	v19 =	vmul.f32 v21, v28;
	v23 =	vsel vm7, v27, v24  }
0x78: {  	s0 =	sadd.s32 @!p0 s29, s11;
	v17 =	vadd.f32 v20, v17;
	v21 =	vmul.f32 v23, v29;
	v20 =	vmul.f32 v22, v26  }
0x79: {  	s0 =	sshrl.u32 @!p0 s0, $0x3;
	v12 =	vadd.f32 v18, v12;
	v13 =	vadd.f32 v19, v13  }
0x7a: {  	s30 =	simm.s32 @!p0 $0x0;
	s31 =	simm.s32 @!p0 $0x16800;
	s3 =	sadd.s32 @!p0 s1, s0;
	v10 =	vadd.f32 v21, v10;
	v14 =	vadd.f32 v20, v14  }
0x7b: {  	[tilespmem:s31], [sflag:$0x1] =	stream.linear.gather @!p0 [hbm4b:s3+s30], $0x1680, $0x38;
	v15 =	vadd.f32 v17, v16;
	v11 =	vadd.f32 v12, v11;
	[tilespmem:$0x1D200] =	vst v63  }
0x7c: {  	s0 =	sadd.s32 @!p0 s2, s0;
	s3 =	simm.s32 @!p0 $0x19500;
	v9 =	vadd.f32 v9, v10;
	v12 =	vadd.f32 v14, v13  }
0x7d: {  	[tilespmem:s3], [sflag:$0x3] =	stream.linear.gather @!p0 [hbm4b:s0+s30], $0x1680, $0x38;
	[tilespmem:$0x1D200] =	vst v63  }
0x7e: {  	s30 =	sshll.u32 s28, $0x5;
	v10 =	vadd.f32 v11, v15;
	v9 =	vadd.f32 v9, v12  }
0x7f: {  	v11 =	vld [tilespmem:s30+$0x1C200]  }
0x80: {  	v9 =	vadd.f32 v9, v10;
	_ =	sdelay $0x1  }
0x81: {  	v9 =	vmul.f32 $8.726646190e-03, v9  }
0x82: {  	s0 =	ssub.s32 $0x7F0, s30  }
0x83: {  	s3 =	sshll.u32 s0, $0x3;
	s31 =	sshrl.u32 s0, $0x1;
	v9 =	vadd.f32 v11, v9  }
0x84: {  	s3 =	sand.u32 $0x400, s3;
	s31 =	sand.u32 $0x380, s31  }
0x85: {  	s0 =	sand.u32 $0x70, s0;
	s3 =	sor.u32 s31, s3;
	v9 =	vperm.xlane v9, v8  }
0x86: {  	s0 =	sor.u32 s0, s3  }
0x87: {  	[tilespmem:s0+$0x1CA00] =	vst v9  }
0x88: {  	_ =	swait.ge [sflag:s23], $0x1680  }
0x89: {  	[sflag:s23] =	ssyncset.done $0x0  }
0x8a: {  	[sflag:s23] =	ssyncadd.s32 $0xFFFFE980  }
0x8b: {  	_ =	swait.ge [sflag:s24], $0x1680  }
0x8c: {  	[sflag:s24] =	ssyncset.done $0x0  }
0x8d: {  	s0 =	simm.s32 $0x0;
	[sflag:s24] =	ssyncadd.s32 $0xFFFFE980  }
0x8e: {  	v9 =	vld.idx.msk [tilespmem:v7+s0+$0x17E80], $0xffff  }
0x8f: {  	v10 =	vld.idx.msk [tilespmem:v0+s0+$0x17E80], $0xffff  }
0x90: {  	v11 =	vld.idx.msk [tilespmem:v1+s0+$0x17E80], $0xffff  }
0x91: {  	v12 =	vld.idx.msk [tilespmem:v2+s0+$0x17E80], $0xffff  }
0x92: {  	v13 =	vld.idx.msk [tilespmem:v3+s0+$0x17E80], $0xffff  }
0x93: {  	v14 =	vld.idx.msk [tilespmem:v4+s0+$0x17E80], $0xffff;
	_ =	sdelay $0x1  }
0x94: {  	vm6 =	vgt.s32 v9, $0x167FF;
	v15 =	vadd.s32 $0xFFFE9800, v9  }
0x95: {  	v16 =	vld.idx.msk [tilespmem:v5+s0+$0x17E80], $0xffff;
	vm7 =	vgt.s32 v10, $0x167FF;
	v17 =	vadd.s32 $0xFFFE9800, v10;
	vm5 =	vgt.s32 v11, $0x167FF  }
0x96: {  	v18 =	vld.idx.msk [tilespmem:v6+s0+$0x17E80], $0xffff;
	vm1 =	vgt.s32 v12, $0x167FF;
	v19 =	vadd.s32 $0xFFFE9800, v12;
	v9 =	vsel vm6, v15, v9  }
0x97: {  	vm2 =	vgt.s32 v13, $0x167FF;
	vm3 =	vgt.s32 v14, $0x167FF;
	v10 =	vsel vm7, v17, v10  }
0x98: {  	v15 =	vadd.s32 $0xFFFE9800, v11;
	v12 =	vsel vm1, v19, v12;
	v19 =	vadd.s32 $0xFFFE9800, v13  }
0x99: {  	v20 =	vld.idx.msk [tilespmem:v0+s0+$0x1AB80], $0xffff;
	v11 =	vsel vm5, v15, v11;
	v13 =	vsel vm2, v19, v13;
	v19 =	vadd.s32 $0xFFFE9800, v14  }
0x9a: {  	v21 =	vld.idx.msk [tilespmem:v7+s0+$0x1AB80], $0xffff;
	vm0 =	vgt.s32 v16, $0x167FF;
	v14 =	vsel vm3, v19, v14;
	v19 =	vadd.s32 $0xFFFE9800, v16  }
0x9b: {  	vm4 =	vgt.s32 v18, $0x167FF;
	v22 =	vsel vm0, v19, v16;
	v16 =	vadd.s32 $0xFFFE9800, v18;
	v9 =	vld.idx.msk [tilespmem:v9+s4+$0x0], $0xffff  }
0x9c: {  	v18 =	vsel vm4, v16, v18;
	v10 =	vld.idx.msk [tilespmem:v10+s4+$0x0], $0xffff  }
0x9d: {  	v12 =	vld.idx.msk [tilespmem:v12+s4+$0x0], $0xffff  }
0x9e: {  	v11 =	vld.idx.msk [tilespmem:v11+s4+$0x0], $0xffff  }
0x9f: {  	v13 =	vld.idx.msk [tilespmem:v13+s4+$0x0], $0xffff  }
0xa0: {  	v25 =	vld.idx.msk [tilespmem:v14+s4+$0x0], $0xffff  }
0xa1: {  	v14 =	vimm.f32 $0.0e+00;
	v24 =	vld.idx.msk [tilespmem:v18+s4+$0x0], $0xffff;
	v18 =	vimm.f32 $0.0e+00  }
0xa2: {  	v17 =	vld.idx.msk [tilespmem:v1+s0+$0x1AB80], $0xffff;
	v16 =	vand.u32 $0xFFFF0000, v9;
	v9 =	vshll.u32 v9, $0x10;
	v23 =	vand.u32 $0xFFFF0000, v10  }
0xa3: {  	v15 =	vld.idx.msk [tilespmem:v2+s0+$0x1AB80], $0xffff;
	v10 =	vshll.u32 v10, $0x10;
	v28 =	vand.u32 $0xFFFF0000, v12;
	v29 =	vshll.u32 v12, $0x10  }
0xa4: {  	v19 =	vld.idx.msk [tilespmem:v3+s0+$0x1AB80], $0xffff;
	v12 =	vimm.f32 $0.0e+00;
	v9 =	vsel vm6, v16, v9;
	v16 =	vimm.f32 $0.0e+00  }
0xa5: {  	v26 =	vld.idx.msk [tilespmem:v22+s4+$0x0], $0xffff;
	v10 =	vsel vm7, v23, v10;
	v30 =	vand.u32 $0xFFFF0000, v13;
	v9 =	vmul.f32 v9, v21  }
0xa6: {  	v22 =	vld.idx.msk [tilespmem:v6+s0+$0x1AB80], $0xffff;
	v23 =	vmul.f32 v10, v20;
	v10 =	vand.u32 $0xFFFF0000, v11;
	v11 =	vshll.u32 v11, $0x10  }
0xa7: {  	v31 =	vshll.u32 v13, $0x10;
	v13 =	vimm.f32 $0.0e+00;
	v20 =	vld.idx.msk [tilespmem:v4+s0+$0x1AB80], $0xffff;
	v27 =	vsel vm5, v10, v11  }
0xa8: {  	s31 =	simm.s32 $0x8;
	s3 =	simm.s32 $0x40;
	v21 =	vld.idx.msk [tilespmem:v5+s0+$0x1AB80], $0xffff;
	v11 =	vimm.f32 $0.0e+00;
	v10 =	vimm.f32 $0.0e+00;
	v9 =	vadd.f32 v9, v16  }
.LBB2_5:
0xa9: {  	p1 =	sne.s32 s3, $0x580;
	v32 =	vld.idx.msk [tilespmem:v7+s31+$0x17E80], $0xffff;
	v28 =	vsel vm1, v28, v29;
	v29 =	vand.u32 $0xFFFF0000, v25;
	v25 =	vshll.u32 v25, $0x10  }
0xaa: {  	v30 =	vsel vm2, v30, v31;
	v31 =	vand.u32 $0xFFFF0000, v26;
	v26 =	vshll.u32 v26, $0x10;
	v33 =	vld.idx.msk [tilespmem:v0+s31+$0x17E80], $0xffff  }
0xab: {  	v25 =	vsel vm3, v29, v25;
	v29 =	vand.u32 $0xFFFF0000, v24;
	v24 =	vshll.u32 v24, $0x10;
	v34 =	vld.idx.msk [tilespmem:v1+s31+$0x17E80], $0xffff  }
0xac: {  	v17 =	vmul.f32 v27, v17;
	v26 =	vsel vm0, v31, v26;
	v24 =	vsel vm4, v29, v24;
	v35 =	vld.idx.msk [tilespmem:v2+s31+$0x17E80], $0xffff  }
0xad: {  	v16 =	vadd.f32 v23, v16;
	v23 =	vmul.f32 v28, v15;
	v28 =	vmul.f32 v30, v19;
	v27 =	vld.idx.msk [tilespmem:v3+s31+$0x17E80], $0xffff  }
0xae: {  	v18 =	vadd.f32 v17, v18;
	v20 =	vmul.f32 v25, v20;
	v21 =	vmul.f32 v26, v21;
	v29 =	vld.idx.msk [tilespmem:v4+s31+$0x17E80], $0xffff  }
0xaf: {  	v22 =	vmul.f32 v24, v22;
	vm6 =	vgt.s32 v32, $0x167FF;
	v15 =	vadd.s32 $0xFFFE9800, v32;
	v25 =	vld.idx.msk [tilespmem:v5+s31+$0x17E80], $0xffff  }
0xb0: {  	vm7 =	vgt.s32 v33, $0x167FF;
	v17 =	vadd.s32 $0xFFFE9800, v33;
	v26 =	vsel vm6, v15, v32;
	v24 =	vld.idx.msk [tilespmem:v6+s31+$0x17E80], $0xffff  }
0xb1: {  	v31 =	vsel vm7, v17, v33;
	vm5 =	vgt.s32 v34, $0x167FF;
	v15 =	vadd.s32 $0xFFFE9800, v34;
	v30 =	vld.idx.msk [tilespmem:v0+s31+$0x1AB80], $0xffff  }
0xb2: {  	v32 =	vsel vm5, v15, v34;
	vm1 =	vgt.s32 v35, $0x167FF;
	v19 =	vadd.s32 $0xFFFE9800, v35;
	v17 =	vld.idx.msk [tilespmem:v1+s31+$0x1AB80], $0xffff  }
0xb3: {  	v33 =	vsel vm1, v19, v35;
	vm2 =	vgt.s32 v27, $0x167FF;
	v34 =	vadd.s32 $0xFFFE9800, v27;
	v15 =	vld.idx.msk [tilespmem:v2+s31+$0x1AB80], $0xffff  }
0xb4: {  	v27 =	vsel vm2, v34, v27;
	vm3 =	vgt.s32 v29, $0x167FF;
	v34 =	vadd.s32 $0xFFFE9800, v29;
	v19 =	vld.idx.msk [tilespmem:v3+s31+$0x1AB80], $0xffff  }
0xb5: {  	v29 =	vsel vm3, v34, v29;
	vm0 =	vgt.s32 v25, $0x167FF;
	v34 =	vadd.s32 $0xFFFE9800, v25;
	v26 =	vld.idx.msk [tilespmem:v26+s4+$0x0], $0xffff  }
0xb6: {  	v34 =	vsel vm0, v34, v25;
	vm4 =	vgt.s32 v24, $0x167FF;
	v25 =	vadd.s32 $0xFFFE9800, v24;
	v31 =	vld.idx.msk [tilespmem:v31+s4+$0x0], $0xffff  }
0xb7: {  	v11 =	vadd.f32 v23, v11;
	v12 =	vadd.f32 v28, v12;
	v24 =	vsel vm4, v25, v24;
	v35 =	vld.idx.msk [tilespmem:v7+s31+$0x1AB80], $0xffff  }
0xb8: {  	v13 =	vadd.f32 v20, v13;
	v14 =	vadd.f32 v21, v14;
	v28 =	vld.idx.msk [tilespmem:v32+s4+$0x0], $0xffff  }
0xb9: {  	v10 =	vadd.f32 v22, v10;
	v21 =	vld.idx.msk [tilespmem:v33+s4+$0x0], $0xffff  }
0xba: {  	v22 =	vld.idx.msk [tilespmem:v27+s4+$0x0], $0xffff  }
0xbb: {  	v20 =	vand.u32 $0xFFFF0000, v26;
	v23 =	vshll.u32 v26, $0x10;
	v25 =	vld.idx.msk [tilespmem:v29+s4+$0x0], $0xffff  }
.Ltmp1:
0xbc: {  	v27 =	vand.u32 $0xFFFF0000, v31;
	v29 =	vshll.u32 v31, $0x10;
	v20 =	vsel vm6, v20, v23;
	v26 =	vld.idx.msk [tilespmem:v34+s4+$0x0], $0xffff;
	(pc) =	sbr.rel @p1 .LBB2_5-.Ltmp1, $4  }
0xbd: {  	v23 =	vsel vm7, v27, v29;
	v27 =	vmul.f32 v20, v35;
	v24 =	vld.idx.msk [tilespmem:v24+s4+$0x0], $0xffff  }
0xbe: {  	v23 =	vmul.f32 v23, v30;
	v30 =	vand.u32 $0xFFFF0000, v28;
	v31 =	vshll.u32 v28, $0x10;
	v20 =	vld.idx.msk [tilespmem:v4+s31+$0x1AB80], $0xffff  }
0xbf: {  	v28 =	vand.u32 $0xFFFF0000, v21;
	v29 =	vshll.u32 v21, $0x10;
	v9 =	vadd.f32 v27, v9;
	v21 =	vld.idx.msk [tilespmem:v5+s31+$0x1AB80], $0xffff  }
0xc0: {  	v27 =	vsel vm5, v30, v31;
	v30 =	vand.u32 $0xFFFF0000, v22;
	v31 =	vshll.u32 v22, $0x10;
	v22 =	vld.idx.msk [tilespmem:v6+s31+$0x1AB80], $0xffff;
	s31 =	sshra.s32 s3, $0x2;
	s3 =	sadd.s32 $0x20, s3  }
0xc1: {  	_ =	sdelay $0x3  }
0xc2: {  	v32 =	vld.idx.msk [tilespmem:v7+s31+$0x17E80], $0xffff  }
0xc3: {  	v33 =	vld.idx.msk [tilespmem:v0+s31+$0x17E80], $0xffff  }
0xc4: {  	v28 =	vsel vm1, v28, v29;
	v43 =	vand.u32 $0xFFFF0000, v25;
	v34 =	vld.idx.msk [tilespmem:v1+s31+$0x17E80], $0xffff  }
0xc5: {  	v44 =	vshll.u32 v25, $0x10;
	v30 =	vsel vm2, v30, v31;
	v45 =	vand.u32 $0xFFFF0000, v26;
	v35 =	vld.idx.msk [tilespmem:v2+s31+$0x17E80], $0xffff  }
0xc6: {  	v46 =	vshll.u32 v26, $0x10;
	v17 =	vmul.f32 v27, v17;
	v49 =	vld.idx.msk [tilespmem:v3+s31+$0x17E80], $0xffff;
	v16 =	vadd.f32 v23, v16  }
0xc7: {  	v50 =	vld.idx.msk [tilespmem:v4+s31+$0x17E80], $0xffff;
	v19 =	vmul.f32 v30, v19;
	vm11 =	vgt.s32 v32, $0x167FF;
	v51 =	vadd.s32 $0xFFFE9800, v32  }
0xc8: {  	v52 =	vld.idx.msk [tilespmem:v5+s31+$0x17E80], $0xffff;
	vm6 =	vgt.s32 v33, $0x167FF;
	v36 =	vadd.s32 $0xFFFE9800, v33;
	v29 =	vsel vm11, v51, v32  }
0xc9: {  	v53 =	vld.idx.msk [tilespmem:v6+s31+$0x17E80], $0xffff;
	vm12 =	vgt.s32 v34, $0x167FF;
	v56 =	vadd.s32 $0xFFFE9800, v34;
	v54 =	vsel vm6, v36, v33  }
0xca: {  	vm13 =	vgt.s32 v35, $0x167FF;
	v57 =	vadd.s32 $0xFFFE9800, v35;
	v32 =	vsel vm12, v56, v34  }
0xcb: {  	vm14 =	vgt.s32 v49, $0x167FF;
	v59 =	vadd.s32 $0xFFFE9800, v49;
	v34 =	vsel vm13, v57, v35  }
0xcc: {  	v55 =	vld.idx.msk [tilespmem:v0+s31+$0x1AB80], $0xffff;
	vm15 =	vgt.s32 v50, $0x167FF;
	v60 =	vadd.s32 $0xFFFE9800, v50;
	v27 =	vsel vm14, v59, v49  }
0xcd: {  	vm5 =	vgt.s32 v52, $0x167FF;
	v61 =	vadd.s32 $0xFFFE9800, v52;
	v23 =	vsel vm15, v60, v50;
	v29 =	vld.idx.msk [tilespmem:v29+s4+$0x0], $0xffff  }
0xce: {  	vm7 =	vgt.s32 v53, $0x167FF;
	v62 =	vadd.s32 $0xFFFE9800, v53;
	v31 =	vsel vm5, v61, v52;
	v30 =	vld.idx.msk [tilespmem:v54+s4+$0x0], $0xffff  }
0xcf: {  	v25 =	vsel vm3, v43, v44;
	v47 =	vand.u32 $0xFFFF0000, v24;
	v63 =	vsel vm7, v62, v53;
	v32 =	vld.idx.msk [tilespmem:v32+s4+$0x0], $0xffff  }
0xd0: {  	v48 =	vshll.u32 v24, $0x10;
	v26 =	vsel vm0, v45, v46;
	v15 =	vmul.f32 v28, v15;
	v34 =	vld.idx.msk [tilespmem:v34+s4+$0x0], $0xffff  }
0xd1: {  	v24 =	vsel vm4, v47, v48;
	v17 =	vadd.f32 v17, v18;
	v20 =	vmul.f32 v25, v20;
	v35 =	vld.idx.msk [tilespmem:v27+s4+$0x0], $0xffff  }
0xd2: {  	v21 =	vmul.f32 v26, v21;
	v11 =	vadd.f32 v15, v11;
	v22 =	vmul.f32 v24, v22;
	v39 =	vld.idx.msk [tilespmem:v23+s4+$0x0], $0xffff  }
0xd3: {  	v12 =	vadd.f32 v19, v12;
	v13 =	vadd.f32 v20, v13;
	v43 =	vld.idx.msk [tilespmem:v31+s4+$0x0], $0xffff  }
0xd4: {  	v14 =	vadd.f32 v21, v14;
	v10 =	vadd.f32 v22, v10;
	v45 =	vld.idx.msk [tilespmem:v63+s4+$0x0], $0xffff  }
0xd5: {  	v58 =	vld.idx.msk [tilespmem:v2+s31+$0x1AB80], $0xffff;
	v38 =	vand.u32 $0xFFFF0000, v29;
	v40 =	vshll.u32 v29, $0x10;
	v41 =	vand.u32 $0xFFFF0000, v30  }
0xd6: {  	v37 =	vld.idx.msk [tilespmem:v7+s31+$0x1AB80], $0xffff;
	v42 =	vshll.u32 v30, $0x10;
	v46 =	vand.u32 $0xFFFF0000, v32;
	v26 =	vshll.u32 v32, $0x10  }
0xd7: {  	v47 =	vld.idx.msk [tilespmem:v3+s31+$0x1AB80], $0xffff;
	v48 =	vand.u32 $0xFFFF0000, v34;
	v15 =	vshll.u32 v34, $0x10;
	v51 =	vand.u32 $0xFFFF0000, v35  }
0xd8: {  	v49 =	vld.idx.msk [tilespmem:v4+s31+$0x1AB80], $0xffff;
	v19 =	vshll.u32 v35, $0x10;
	v53 =	vand.u32 $0xFFFF0000, v39;
	v21 =	vshll.u32 v39, $0x10  }
0xd9: {  	v54 =	vld.idx.msk [tilespmem:v6+s31+$0x1AB80], $0xffff;
	v22 =	vshll.u32 v43, $0x10;
	v56 =	vand.u32 $0xFFFF0000, v45;
	v24 =	vshll.u32 v45, $0x10  }
0xda: {  	v33 =	vld.idx.msk [tilespmem:v1+s31+$0x1AB80], $0xffff;
	v20 =	vsel vm11, v38, v40;
	v44 =	vsel vm6, v41, v42;
	v50 =	vsel vm12, v46, v26  }
0xdb: {  	v52 =	vld.idx.msk [tilespmem:v5+s31+$0x1AB80], $0xffff;
	v15 =	vsel vm13, v48, v15;
	v19 =	vsel vm14, v51, v19;
	v21 =	vsel vm15, v53, v21  }
0xdc: {  	v57 =	vsel vm7, v56, v24;
	v20 =	vmul.f32 v20, v37;
	v18 =	vmul.f32 v44, v55  }
0xdd: {  	v55 =	vand.u32 $0xFFFF0000, v43;
	v15 =	vmul.f32 v15, v58;
	v58 =	vmul.f32 v19, v47  }
0xde: {  	v59 =	vmul.f32 v21, v49;
	v61 =	vmul.f32 v57, v54;
	v22 =	vsel vm5, v55, v22  }
0xdf: {  	v9 =	vadd.f32 v20, v9;
	v20 =	vmul.f32 v50, v33;
	v16 =	vadd.f32 v18, v16  }
0xe0: {  	v60 =	vmul.f32 v22, v52;
	v11 =	vadd.f32 v15, v11;
	v12 =	vadd.f32 v58, v12  }
0xe1: {  	s0 =	sadd.s32 @!p0 s29, s12;
	v13 =	vadd.f32 v59, v13;
	v10 =	vadd.f32 v61, v10  }
0xe2: {  	s0 =	sshrl.u32 @!p0 s0, $0x3;
	v17 =	vadd.f32 v20, v17;
	v14 =	vadd.f32 v60, v14  }
0xe3: {  	s29 =	simm.s32 @!p0 $0x0;
	s3 =	sadd.s32 @!p0 s1, s0;
	s31 =	simm.s32 @!p0 $0x17E80;
	v11 =	vadd.f32 v12, v11;
	v9 =	vadd.f32 v9, v10  }
0xe4: {  	[tilespmem:s31], [sflag:$0x2] =	stream.linear.gather @!p0 [hbm4b:s3+s29], $0x1680, $0x38;
	v62 =	vadd.f32 v17, v16;
	v63 =	vadd.f32 v14, v13;
	[tilespmem:$0x1D200] =	vst v63  }
0xe5: {  	s0 =	sadd.s32 @!p0 s2, s0;
	s3 =	simm.s32 @!p0 $0x1AB80  }
0xe6: {  	[tilespmem:s3], [sflag:$0x4] =	stream.linear.gather @!p0 [hbm4b:s0+s29], $0x1680, $0x38;
	v10 =	vadd.f32 v11, v62;
	v9 =	vadd.f32 v9, v63;
	[tilespmem:$0x1D200] =	vst v63  }
0xe7: {  	v11 =	vld [tilespmem:s30+$0x1C210]  }
0xe8: {  	v9 =	vadd.f32 v9, v10;
	_ =	sdelay $0x1  }
0xe9: {  	s28 =	sadd.s32 $0x1, s28;
	v9 =	vmul.f32 $8.726646190e-03, v9  }
0xea: {  	s0 =	ssub.s32 $0x7E0, s30;
	p0 =	sne.s32 s28, $0x40  }
.Ltmp2:
0xeb: {  	s31 =	sshrl.u32 s0, $0x1;
	s30 =	sshll.u32 s0, $0x3;
	v9 =	vadd.f32 v11, v9;
	(pc) =	sbr.rel @p0 .LBB2_2-.Ltmp2, $4  }
0xec: {  	s29 =	sand.u32 $0x380, s31;
	s3 =	sand.u32 $0x400, s30  }
0xed: {  	s0 =	sand.u32 $0x60, s0;
	s3 =	sor.u32 s29, s3;
	v9 =	vperm.xlane v9, v8  }
0xee: {  	s0 =	sor.u32 s0, s3  }
0xef: {  	[tilespmem:s0+$0x1CA00] =	vst v9  }
0xf0: {  	s26 =	sadd.s32 $0x1, s26  }
0xf1: {  	p0 =	sne.s32 s26, s14  }
.Ltmp3:
0xf2: {  	_ = 	snop;
	(pc) =	sbr.rel @p0 .LBB2_1-.Ltmp3, $4  }
0xf3: {  	[hbm4b:s13+s4] =	stream.linear.scatter [tilespmem:s25], [sflag:$0x5], $0x800, $0x38;
	[tilespmem:$0x1D200] =	vst v63  }
0xf4: {  	_ =	swait.ge [sflag:s19], $0x800  }
0xf5: {  	[sflag:s19] =	ssyncset.done $0x0  }
0xf6: {  	[sflag:s19] =	ssyncadd.s32 $0xFFFFF800  }
0xf7: {  	_ =	sfence.sel $0x180000  }
0xf8: {  	[bflag:$0x0] =	sbarrier.arrive $0xFFFF  }
0xf9: {  	_ =	strace $0x90000047  }
0xfa: {  	s0 =	stileid.u32;
	[bflag:$0x2] =	sbarrier.arrive $0xFFFF  }
0xfb: {  	p0 =	sne.s32 s0, $0x0;
	s0 =	rddreg [dreg:$0x5]  }
0xfc: {  	s0 =	sadd.s32 @!p0 $0x100000, s0  }
0xfd: {  	[sflag:s0] =	ssyncadd.tile.s32 @!p0 $0x1;
	_ =	shalt  }
.Lfunc_end2:
_tile_overlayer_lowered:
.L_overlay_start_2:
0xfe: {  	(tag) =	ssettag $0x2  }
0xff: {  	s0 =	rddreg [dreg:$0x0];
	s2 =	stileid.u32  }
0x100: {  	s1 =	rddreg [dreg:$0x1];
	p0 =	sne.s32 s2, $0x0  }
0x101: {  	s3 =	rddreg [dreg:$0x2];
	[bflag:$0x3] =	sbarrier.arrive $0xFFFF;
	s2 =	simm.s32 @!p0 $0x1C05  }
0x102: {  	[timem:s3], [sflag:s2] =	dma.local @!p0 [hbm:s0], s1  }
0x103: {  	s0 =	simm.s32 @!p0 $0x5  }
0x104: {  	_ =	swait.ge @!p0 [sflag:s0], s1  }
0x105: {  	s1 =	ssub.s32 @!p0 $0x0, s1;
	[sflag:s0] =	ssyncset.done @!p0 $0x0  }
0x106: {  	[sflag:s0] =	ssyncadd.s32 @!p0 s1  }
0x107: {  	[bflag:$0x3] =	sbarrier.arrive $0xFFFF  }
0x108: {  	_ =	shalt  }

</sc_bundles>
